<compile_context>
chip_gen: v7x
topology: tpu7x:2x2x1
jax: 0.10.2.dev20260603
libtpu: 0.0.44.dev20260713+nightly
codegen_flags: <defaults>
</compile_context>

<pallas_src>
import functools

import jax
import jax.numpy as jnp
from jax import lax
from jax.experimental import pallas as pl
from jax.experimental.pallas import tpu as pltpu
from jax.experimental.pallas import tpu_sc as plsc

DIM = 128
B = 4096
M = 200
NC = 2
NS = 16
NW = NC * NS
NB = B // NW
NJ = DIM // 16
CHUNK = 100
HPB = M // CHUNK
NH = NB * HPB
NBUF = 4


def _sc_body(table_hbm, uts_hbm, items_hbm, z_hbm,
             idx_v, itemidx_v, buf_v, ev_v, z_v, sems, sem_ld):
    wid = lax.axis_index("s") * NC + lax.axis_index("c")
    base = wid * NB

    pltpu.sync_copy(uts_hbm.at[wid], idx_v)
    pltpu.sync_copy(items_hbm.at[pl.ds(base, NB)], itemidx_v)
    pltpu.async_copy(table_hbm.at[itemidx_v], ev_v, sem_ld)

    def fire(h, s):
        pltpu.async_copy(table_hbm.at[idx_v.at[h]], buf_v.at[s], sems[s])

    def drain(h, s):
        pltpu.make_async_copy(table_hbm.at[idx_v.at[h]], buf_v.at[s],
                              sems[s]).wait()

    for s in range(NBUF - 1):
        fire(s, s)

    pltpu.make_async_copy(table_hbm.at[itemidx_v], ev_v, sem_ld).wait()

    acc0 = tuple(jnp.zeros((16,), jnp.float32) for _ in range(NJ))

    @pl.loop(0, NH // NBUF, init_carry=acc0)
    def _(it, acc):
        h0 = it * NBUF
        for s in range(NBUF):
            h = h0 + s

            @pl.when(h + NBUF - 1 < NH)
            def _():
                fire(h + NBUF - 1, (s + NBUF - 1) % NBUF)

            drain(h, s)

            @pl.loop(0, CHUNK, init_carry=acc, unroll=2)
            def acc(r, carry):
                return tuple(carry[j] + buf_v[s, r, pl.ds(16 * j, 16)]
                             for j in range(NJ))

            if s % HPB == HPB - 1:
                i = it * (NBUF // HPB) + s // HPB
                dvec = jnp.zeros((16,), jnp.float32)
                for j in range(NJ):
                    dvec = dvec + acc[j] * ev_v[i, pl.ds(16 * j, 16)]
                z_v[i] = dvec
                acc = acc0
        return acc

    pltpu.sync_copy(z_v, z_hbm.at[pl.ds(base, NB)])



_sc_logits = functools.partial(
    pl.kernel,
    out_type=jax.ShapeDtypeStruct((B, 16), jnp.float32),
    mesh=plsc.VectorSubcoreMesh(core_axis_name="c", subcore_axis_name="s"),
    scratch_types=[
        pltpu.VMEM((NH, CHUNK), jnp.int32),
        pltpu.VMEM((NB,), jnp.int32),
        pltpu.VMEM((NBUF, CHUNK, DIM), jnp.float32),
        pltpu.VMEM((NB, DIM), jnp.float32),
        pltpu.VMEM((NB, 16), jnp.float32),
        [pltpu.SemaphoreType.DMA] * NBUF,
        pltpu.SemaphoreType.DMA,
    ],
)(_sc_body)


def _tc_body(z2_ref, y_ref, s_ref, loss_ref):
    z = jnp.sum(z2_ref[...], axis=1) * (1.0 / M)
    s = jax.nn.sigmoid(z)
    s_ref[...] = s
    y = y_ref[...].astype(jnp.float32)
    eps = 1e-12
    sc = jnp.clip(s, eps, 1.0 - eps)
    loss = -jnp.mean(y * jnp.log(sc) + (1.0 - y) * jnp.log(1.0 - sc))
    loss_ref[...] = jnp.reshape(loss, (1, 1))


_tc_head = pl.pallas_call(
    _tc_body,
    out_shape=[
        jax.ShapeDtypeStruct((B,), jnp.float32),
        jax.ShapeDtypeStruct((1, 1), jnp.float32),
    ],
)


def kernel(entity_emb, items, labels, user_triple_set, item_triple_set):
    uts = user_triple_set[0, 0].astype(jnp.int32).reshape(NW, NH, CHUNK)
    z2 = _sc_logits(entity_emb, uts, items)
    scores, loss2d = _tc_head(z2, labels)
    return scores, loss2d[0, 0]

# --- scband reference (transcript-rebuilt; emitter-appended) ---
"""Pipeline reference for scband-hop0-ckan-32263794327778 (READ-ONLY COPY).

The authoritative reference and input builder live on the scoring server;
editing this copy changes nothing except your own understanding.
"""

import jax, jax.numpy as jnp
import numpy as np

N_ENTITY = 100000
N_RELATION = 100
DIM = 128
B = 4096
M = 200


def setup_inputs(seed: int = 0) -> dict:
    key = jax.random.key(seed)
    k1, k2, k3, k4, k5 = jax.random.split(key, 5)
    # Learned parameters (xavier-uniform-like scale for embedding table)
    bound = float(np.sqrt(6.0 / (N_ENTITY + 1 + DIM)))
    entity_emb = jax.random.uniform(k1, (N_ENTITY + 1, DIM), dtype=jnp.float32, minval=-bound, maxval=bound)
    items = jax.random.randint(k2, (B,), 0, N_ENTITY)
    labels = jax.random.randint(k3, (B,), 0, 2)
    user_triple_set = jax.random.randint(k4, (1, 3, B, M), 0, N_ENTITY)
    item_triple_set = jax.random.randint(k5, (1, 3, B, M), 0, N_ENTITY)
    return {
        "entity_emb": entity_emb,
        "items": items,
        "labels": labels,
        "user_triple_set": user_triple_set,
        "item_triple_set": item_triple_set,
    }


def reference(entity_emb, items, labels, user_triple_set, item_triple_set):
    # hop-0 user representation: gather head entities of hop-0 triples, mean over memory dim
    user_emb_0 = jnp.take(entity_emb, user_triple_set[0][0], axis=0)  # [B, M, DIM]
    e_u = user_emb_0.mean(axis=1)                                      # [B, DIM]
    # item representation: direct embedding lookup
    e_v = jnp.take(entity_emb, items, axis=0)                          # [B, DIM]
    # predict: inner product + sigmoid
    scores = jax.nn.sigmoid(jnp.sum(e_v * e_u, axis=1))                # [B]
    # BCE loss (mean reduction), matching nn.BCELoss
    y = labels.astype(jnp.float32)
    eps = 1e-12
    s = jnp.clip(scores, eps, 1.0 - eps)
    base_loss = -jnp.mean(y * jnp.log(s) + (1.0 - y) * jnp.log(1.0 - s))
    return (scores, base_loss)

if __name__ == "__main__":
    import jax
    _d = setup_inputs()
    print(jax.jit(kernel)(*tuple(_d.values())))

</pallas_src>

<mosaic_0001>
#map = affine_map<(d0, d1) -> (0, 0)>
#map1 = affine_map<(d0, d1) -> (0, 0, 0)>
#map2 = affine_map<(d0, d1) -> (0)>
module attributes {stable_mosaic.version = 14 : i64} {
  func.func @_sc_body(%arg0: i32, %arg1: i32, %arg2: memref<100001x128xf32, #tpu.memory_space<hbm>>, %arg3: memref<32x256x100xi32, #tpu.memory_space<hbm>>, %arg4: memref<4096xi32, #tpu.memory_space<hbm>>, %arg5: memref<4096x16xf32, #tpu.memory_space<hbm>>, %arg6: memref<256x100xi32, #tpu.memory_space<vmem>>, %arg7: memref<128xi32, #tpu.memory_space<vmem>>, %arg8: memref<4x100x128xf32, #tpu.memory_space<vmem>>, %arg9: memref<128x128xf32, #tpu.memory_space<vmem>>, %arg10: memref<128x16xf32, #tpu.memory_space<vmem>>, %arg11: memref<!tpu.dma_semaphore, #tpu.memory_space<semaphore_mem>>, %arg12: memref<!tpu.dma_semaphore, #tpu.memory_space<semaphore_mem>>, %arg13: memref<!tpu.dma_semaphore, #tpu.memory_space<semaphore_mem>>, %arg14: memref<!tpu.dma_semaphore, #tpu.memory_space<semaphore_mem>>, %arg15: memref<!tpu.dma_semaphore, #tpu.memory_space<semaphore_mem>>) attributes {dimension_semantics = [#tpu.dimension_semantics<core_parallel>, #tpu.dimension_semantics<subcore_parallel>], iteration_bounds = array<i64: 2, 16>, scalar_prefetch = 0 : i64, scratch_operands = 10 : i64, tpu.core_type = #tpu.core_type<sc_vector_subcore>, window_params = [{transform_indices = #map}, {transform_indices = #map1}, {transform_indices = #map2}, {transform_indices = #map}]} {
    %mul3A = arith.constant 2 : i32
    %mul3A_0 = arith.muli %arg1, %mul3A : i32
    %add3A = arith.addi %mul3A_0, %arg0 : i32
    %mul3A_1 = arith.constant 128 : i32
    %mul3A_2 = arith.muli %add3A, %mul3A_1 : i32
    "tpu.region"() ({
      %run_scoped3A = tpu.sem_alloc : memref<!tpu.dma_semaphore, #tpu.memory_space<semaphore_mem>>
      %dma_start3A_63 = arith.constant 0 : i32
      %dma_start3A_64 = arith.constant 0 : i32
      %dma_start3A_65 = tpu.memref_slice %arg3[%add3A, %dma_start3A_63, %dma_start3A_64] : memref<32x256x100xi32, #tpu.memory_space<hbm>> -> memref<1x256x100xi32, #tpu.memory_space<hbm>>
      %dma_start3A_66 = tpu.memref_squeeze %dma_start3A_65 : memref<1x256x100xi32, #tpu.memory_space<hbm>> -> memref<256x100xi32, #tpu.memory_space<hbm>>
      %dma_start3A_67 = arith.constant 0 : i32
      %dma_start3A_68 = arith.constant 0 : i32
      %dma_start3A_69 = tpu.memref_slice %arg3[%add3A, %dma_start3A_67, %dma_start3A_68] : memref<32x256x100xi32, #tpu.memory_space<hbm>> -> memref<1x256x100xi32, #tpu.memory_space<hbm>>
      %dma_start3A_70 = tpu.memref_squeeze %dma_start3A_69 : memref<1x256x100xi32, #tpu.memory_space<hbm>> -> memref<256x100xi32, #tpu.memory_space<hbm>>
      tpu.enqueue_dma source(%dma_start3A_70 : memref<256x100xi32, #tpu.memory_space<hbm>>) target(%arg6 : memref<256x100xi32, #tpu.memory_space<vmem>>) target_semaphore(%run_scoped3A : memref<!tpu.dma_semaphore, #tpu.memory_space<semaphore_mem>>)
      %dma_wait3A_71 = arith.constant 0 : i32
      %dma_wait3A_72 = arith.constant 0 : i32
      %dma_wait3A_73 = tpu.memref_slice %arg3[%add3A, %dma_wait3A_71, %dma_wait3A_72] : memref<32x256x100xi32, #tpu.memory_space<hbm>> -> memref<1x256x100xi32, #tpu.memory_space<hbm>>
      %dma_wait3A_74 = tpu.memref_squeeze %dma_wait3A_73 : memref<1x256x100xi32, #tpu.memory_space<hbm>> -> memref<256x100xi32, #tpu.memory_space<hbm>>
      %dma_wait3A_75 = arith.constant 0 : i32
      %dma_wait3A_76 = arith.constant 0 : i32
      %dma_wait3A_77 = tpu.memref_slice %arg3[%add3A, %dma_wait3A_75, %dma_wait3A_76] : memref<32x256x100xi32, #tpu.memory_space<hbm>> -> memref<1x256x100xi32, #tpu.memory_space<hbm>>
      %dma_wait3A_78 = tpu.memref_squeeze %dma_wait3A_77 : memref<1x256x100xi32, #tpu.memory_space<hbm>> -> memref<256x100xi32, #tpu.memory_space<hbm>>
      tpu.wait_dma2 semaphore(%run_scoped3A : memref<!tpu.dma_semaphore, #tpu.memory_space<semaphore_mem>>) src(%dma_wait3A_78 : memref<256x100xi32, #tpu.memory_space<hbm>>) dst(%arg6 : memref<256x100xi32, #tpu.memory_space<vmem>>)
      tpu.yield
    }) : () -> ()
    "tpu.region"() ({
      %run_scoped3A = tpu.sem_alloc : memref<!tpu.dma_semaphore, #tpu.memory_space<semaphore_mem>>
      %dma_start3A_63 = tpu.memref_slice %arg4[%mul3A_2] : memref<4096xi32, #tpu.memory_space<hbm>> -> memref<128xi32, #tpu.memory_space<hbm>>
      %dma_start3A_64 = tpu.memref_slice %arg4[%mul3A_2] : memref<4096xi32, #tpu.memory_space<hbm>> -> memref<128xi32, #tpu.memory_space<hbm>>
      tpu.enqueue_dma source(%dma_start3A_64 : memref<128xi32, #tpu.memory_space<hbm>>) target(%arg7 : memref<128xi32, #tpu.memory_space<vmem>>) target_semaphore(%run_scoped3A : memref<!tpu.dma_semaphore, #tpu.memory_space<semaphore_mem>>)
      %dma_wait3A_65 = tpu.memref_slice %arg4[%mul3A_2] : memref<4096xi32, #tpu.memory_space<hbm>> -> memref<128xi32, #tpu.memory_space<hbm>>
      %dma_wait3A_66 = tpu.memref_slice %arg4[%mul3A_2] : memref<4096xi32, #tpu.memory_space<hbm>> -> memref<128xi32, #tpu.memory_space<hbm>>
      tpu.wait_dma2 semaphore(%run_scoped3A : memref<!tpu.dma_semaphore, #tpu.memory_space<semaphore_mem>>) src(%dma_wait3A_66 : memref<128xi32, #tpu.memory_space<hbm>>) dst(%arg7 : memref<128xi32, #tpu.memory_space<vmem>>)
      tpu.yield
    }) : () -> ()
    %dma_start3A = arith.constant 0 : i32
    %dma_start3A_3 = arith.constant 0 : i32
    %dma_start3A_4 = tpu.memref_slice %arg2[%dma_start3A, %dma_start3A_3] : memref<100001x128xf32, #tpu.memory_space<hbm>> -> memref<100001x128xf32, #tpu.memory_space<hbm>>
    tpu.enqueue_indirect_dma source(%dma_start3A_4 : memref<100001x128xf32, #tpu.memory_space<hbm>>) target(%arg9 : memref<128x128xf32, #tpu.memory_space<vmem>>) offsets(%arg7 : memref<128xi32, #tpu.memory_space<vmem>>) semaphore(%arg15 : memref<!tpu.dma_semaphore, #tpu.memory_space<semaphore_mem>>)
    %dma_start3A_5 = arith.constant 0 : i32
    %dma_start3A_6 = arith.constant 0 : i32
    %dma_start3A_7 = arith.constant 0 : i32
    %dma_start3A_8 = arith.constant 0 : i32
    %dma_start3A_9 = tpu.memref_slice %arg8[%dma_start3A_6, %dma_start3A_7, %dma_start3A_8] : memref<4x100x128xf32, #tpu.memory_space<vmem>> -> memref<1x100x128xf32, #tpu.memory_space<vmem>>
    %dma_start3A_10 = tpu.memref_squeeze %dma_start3A_9 : memref<1x100x128xf32, #tpu.memory_space<vmem>> -> memref<100x128xf32, #tpu.memory_space<vmem>>
    %dma_start3A_11 = arith.constant 0 : i32
    %dma_start3A_12 = tpu.memref_slice %arg6[%dma_start3A_5, %dma_start3A_11] : memref<256x100xi32, #tpu.memory_space<vmem>> -> memref<1x100xi32, #tpu.memory_space<vmem>>
    %dma_start3A_13 = tpu.memref_squeeze %dma_start3A_12 : memref<1x100xi32, #tpu.memory_space<vmem>> -> memref<100xi32, #tpu.memory_space<vmem>>
    %dma_start3A_14 = arith.constant 0 : i32
    %dma_start3A_15 = arith.constant 0 : i32
    %dma_start3A_16 = tpu.memref_slice %arg2[%dma_start3A_14, %dma_start3A_15] : memref<100001x128xf32, #tpu.memory_space<hbm>> -> memref<100001x128xf32, #tpu.memory_space<hbm>>
    tpu.enqueue_indirect_dma source(%dma_start3A_16 : memref<100001x128xf32, #tpu.memory_space<hbm>>) target(%dma_start3A_10 : memref<100x128xf32, #tpu.memory_space<vmem>>) offsets(%dma_start3A_13 : memref<100xi32, #tpu.memory_space<vmem>>) semaphore(%arg11 : memref<!tpu.dma_semaphore, #tpu.memory_space<semaphore_mem>>)
    %dma_start3A_17 = arith.constant 1 : i32
    %dma_start3A_18 = arith.constant 1 : i32
    %dma_start3A_19 = arith.constant 0 : i32
    %dma_start3A_20 = arith.constant 0 : i32
    %dma_start3A_21 = tpu.memref_slice %arg8[%dma_start3A_18, %dma_start3A_19, %dma_start3A_20] : memref<4x100x128xf32, #tpu.memory_space<vmem>> -> memref<1x100x128xf32, #tpu.memory_space<vmem>>
    %dma_start3A_22 = tpu.memref_squeeze %dma_start3A_21 : memref<1x100x128xf32, #tpu.memory_space<vmem>> -> memref<100x128xf32, #tpu.memory_space<vmem>>
    %dma_start3A_23 = arith.constant 0 : i32
    %dma_start3A_24 = tpu.memref_slice %arg6[%dma_start3A_17, %dma_start3A_23] : memref<256x100xi32, #tpu.memory_space<vmem>> -> memref<1x100xi32, #tpu.memory_space<vmem>>
    %dma_start3A_25 = tpu.memref_squeeze %dma_start3A_24 : memref<1x100xi32, #tpu.memory_space<vmem>> -> memref<100xi32, #tpu.memory_space<vmem>>
    %dma_start3A_26 = arith.constant 0 : i32
    %dma_start3A_27 = arith.constant 0 : i32
    %dma_start3A_28 = tpu.memref_slice %arg2[%dma_start3A_26, %dma_start3A_27] : memref<100001x128xf32, #tpu.memory_space<hbm>> -> memref<100001x128xf32, #tpu.memory_space<hbm>>
    tpu.enqueue_indirect_dma source(%dma_start3A_28 : memref<100001x128xf32, #tpu.memory_space<hbm>>) target(%dma_start3A_22 : memref<100x128xf32, #tpu.memory_space<vmem>>) offsets(%dma_start3A_25 : memref<100xi32, #tpu.memory_space<vmem>>) semaphore(%arg12 : memref<!tpu.dma_semaphore, #tpu.memory_space<semaphore_mem>>)
    %dma_start3A_29 = arith.constant 2 : i32
    %dma_start3A_30 = arith.constant 2 : i32
    %dma_start3A_31 = arith.constant 0 : i32
    %dma_start3A_32 = arith.constant 0 : i32
    %dma_start3A_33 = tpu.memref_slice %arg8[%dma_start3A_30, %dma_start3A_31, %dma_start3A_32] : memref<4x100x128xf32, #tpu.memory_space<vmem>> -> memref<1x100x128xf32, #tpu.memory_space<vmem>>
    %dma_start3A_34 = tpu.memref_squeeze %dma_start3A_33 : memref<1x100x128xf32, #tpu.memory_space<vmem>> -> memref<100x128xf32, #tpu.memory_space<vmem>>
    %dma_start3A_35 = arith.constant 0 : i32
    %dma_start3A_36 = tpu.memref_slice %arg6[%dma_start3A_29, %dma_start3A_35] : memref<256x100xi32, #tpu.memory_space<vmem>> -> memref<1x100xi32, #tpu.memory_space<vmem>>
    %dma_start3A_37 = tpu.memref_squeeze %dma_start3A_36 : memref<1x100xi32, #tpu.memory_space<vmem>> -> memref<100xi32, #tpu.memory_space<vmem>>
    %dma_start3A_38 = arith.constant 0 : i32
    %dma_start3A_39 = arith.constant 0 : i32
    %dma_start3A_40 = tpu.memref_slice %arg2[%dma_start3A_38, %dma_start3A_39] : memref<100001x128xf32, #tpu.memory_space<hbm>> -> memref<100001x128xf32, #tpu.memory_space<hbm>>
    tpu.enqueue_indirect_dma source(%dma_start3A_40 : memref<100001x128xf32, #tpu.memory_space<hbm>>) target(%dma_start3A_34 : memref<100x128xf32, #tpu.memory_space<vmem>>) offsets(%dma_start3A_37 : memref<100xi32, #tpu.memory_space<vmem>>) semaphore(%arg13 : memref<!tpu.dma_semaphore, #tpu.memory_space<semaphore_mem>>)
    %dma_wait3A = arith.constant 0 : i32
    %dma_wait3A_41 = arith.constant 0 : i32
    %dma_wait3A_42 = tpu.memref_slice %arg2[%dma_wait3A, %dma_wait3A_41] : memref<100001x128xf32, #tpu.memory_space<hbm>> -> memref<100001x128xf32, #tpu.memory_space<hbm>>
    tpu.wait_indirect_dma semaphore(%arg15 : memref<!tpu.dma_semaphore, #tpu.memory_space<semaphore_mem>>) src(%dma_wait3A_42 : memref<100001x128xf32, #tpu.memory_space<hbm>>) dst(%arg9 : memref<128x128xf32, #tpu.memory_space<vmem>>)
    %broadcast_in_dim3A = arith.constant 0.000000e+00 : f32
    %broadcast_in_dim3A_43 = vector.broadcast %broadcast_in_dim3A : f32 to vector<16xf32>
    %broadcast_in_dim3A_44 = arith.constant 0.000000e+00 : f32
    %broadcast_in_dim3A_45 = vector.broadcast %broadcast_in_dim3A_44 : f32 to vector<16xf32>
    %broadcast_in_dim3A_46 = arith.constant 0.000000e+00 : f32
    %broadcast_in_dim3A_47 = vector.broadcast %broadcast_in_dim3A_46 : f32 to vector<16xf32>
    %broadcast_in_dim3A_48 = arith.constant 0.000000e+00 : f32
    %broadcast_in_dim3A_49 = vector.broadcast %broadcast_in_dim3A_48 : f32 to vector<16xf32>
    %broadcast_in_dim3A_50 = arith.constant 0.000000e+00 : f32
    %broadcast_in_dim3A_51 = vector.broadcast %broadcast_in_dim3A_50 : f32 to vector<16xf32>
    %broadcast_in_dim3A_52 = arith.constant 0.000000e+00 : f32
    %broadcast_in_dim3A_53 = vector.broadcast %broadcast_in_dim3A_52 : f32 to vector<16xf32>
    %broadcast_in_dim3A_54 = arith.constant 0.000000e+00 : f32
    %broadcast_in_dim3A_55 = vector.broadcast %broadcast_in_dim3A_54 : f32 to vector<16xf32>
    %broadcast_in_dim3A_56 = arith.constant 0.000000e+00 : f32
    %broadcast_in_dim3A_57 = vector.broadcast %broadcast_in_dim3A_56 : f32 to vector<16xf32>
    %scan3A = arith.constant 0 : i32
    %scan3A_58 = arith.constant 64 : i32
    %scan3A_59 = arith.addi %scan3A, %scan3A_58 : i32
    %scan3A_60 = arith.constant 1 : i32
    %scan3A_61:8 = scf.for %scan3A_63 = %scan3A to %scan3A_59 step %scan3A_60 iter_args(%scan3A_64 = %broadcast_in_dim3A_43, %scan3A_65 = %broadcast_in_dim3A_45, %scan3A_66 = %broadcast_in_dim3A_47, %scan3A_67 = %broadcast_in_dim3A_49, %scan3A_68 = %broadcast_in_dim3A_51, %scan3A_69 = %broadcast_in_dim3A_53, %scan3A_70 = %broadcast_in_dim3A_55, %scan3A_71 = %broadcast_in_dim3A_57) -> (vector<16xf32>, vector<16xf32>, vector<16xf32>, vector<16xf32>, vector<16xf32>, vector<16xf32>, vector<16xf32>, vector<16xf32>)  : i32 {
      %mul3A_72 = arith.constant 1 : i32
      %mul3A_73 = arith.muli %scan3A_63, %mul3A_72 : i32
      %add3A_74 = arith.constant 0 : i32
      %add3A_75 = arith.addi %add3A_74, %mul3A_73 : i32
      %mul3A_76 = arith.constant 4 : i32
      %mul3A_77 = arith.muli %add3A_75, %mul3A_76 : i32
      %add3A_78 = arith.constant 0 : i32
      %add3A_79 = arith.addi %mul3A_77, %add3A_78 : i32
      %add3A_80 = arith.constant 4 : i32
      %add3A_81 = arith.addi %add3A_79, %add3A_80 : i32
      %sub3A = arith.constant 1 : i32
      %sub3A_82 = arith.subi %add3A_81, %sub3A : i32
      %lt3A = arith.constant 256 : i32
      %lt3A_83 = arith.cmpi slt, %sub3A_82, %lt3A : i32
      %convert_element_type3A = arith.extui %lt3A_83 : i1 to i32
      %cond3A = arith.constant 0 : i32
      %cond3A_84 = arith.cmpi ne, %convert_element_type3A, %cond3A : i32
      scf.if %cond3A_84 {
        %add3A_302 = arith.constant 4 : i32
        %add3A_303 = arith.addi %add3A_79, %add3A_302 : i32
        %sub3A_304 = arith.constant 1 : i32
        %sub3A_305 = arith.subi %add3A_303, %sub3A_304 : i32
        %dma_start3A_306 = arith.constant 3 : i32
        %dma_start3A_307 = arith.constant 0 : i32
        %dma_start3A_308 = arith.constant 0 : i32
        %dma_start3A_309 = tpu.memref_slice %arg8[%dma_start3A_306, %dma_start3A_307, %dma_start3A_308] : memref<4x100x128xf32, #tpu.memory_space<vmem>> -> memref<1x100x128xf32, #tpu.memory_space<vmem>>
        %dma_start3A_310 = tpu.memref_squeeze %dma_start3A_309 : memref<1x100x128xf32, #tpu.memory_space<vmem>> -> memref<100x128xf32, #tpu.memory_space<vmem>>
        %dma_start3A_311 = arith.constant 0 : i32
        %dma_start3A_312 = tpu.memref_slice %arg6[%sub3A_305, %dma_start3A_311] : memref<256x100xi32, #tpu.memory_space<vmem>> -> memref<1x100xi32, #tpu.memory_space<vmem>>
        %dma_start3A_313 = tpu.memref_squeeze %dma_start3A_312 : memref<1x100xi32, #tpu.memory_space<vmem>> -> memref<100xi32, #tpu.memory_space<vmem>>
        %dma_start3A_314 = arith.constant 0 : i32
        %dma_start3A_315 = arith.constant 0 : i32
        %dma_start3A_316 = tpu.memref_slice %arg2[%dma_start3A_314, %dma_start3A_315] : memref<100001x128xf32, #tpu.memory_space<hbm>> -> memref<100001x128xf32, #tpu.memory_space<hbm>>
        tpu.enqueue_indirect_dma source(%dma_start3A_316 : memref<100001x128xf32, #tpu.memory_space<hbm>>) target(%dma_start3A_310 : memref<100x128xf32, #tpu.memory_space<vmem>>) offsets(%dma_start3A_313 : memref<100xi32, #tpu.memory_space<vmem>>) semaphore(%arg14 : memref<!tpu.dma_semaphore, #tpu.memory_space<semaphore_mem>>)
      } else {
      }
      %dma_wait3A_85 = arith.constant 0 : i32
      %dma_wait3A_86 = arith.constant 0 : i32
      %dma_wait3A_87 = arith.constant 0 : i32
      %dma_wait3A_88 = tpu.memref_slice %arg8[%dma_wait3A_85, %dma_wait3A_86, %dma_wait3A_87] : memref<4x100x128xf32, #tpu.memory_space<vmem>> -> memref<1x100x128xf32, #tpu.memory_space<vmem>>
      %dma_wait3A_89 = tpu.memref_squeeze %dma_wait3A_88 : memref<1x100x128xf32, #tpu.memory_space<vmem>> -> memref<100x128xf32, #tpu.memory_space<vmem>>
      %dma_wait3A_90 = arith.constant 0 : i32
      %dma_wait3A_91 = tpu.memref_slice %arg6[%add3A_79, %dma_wait3A_90] : memref<256x100xi32, #tpu.memory_space<vmem>> -> memref<1x100xi32, #tpu.memory_space<vmem>>
      %dma_wait3A_92 = tpu.memref_squeeze %dma_wait3A_91 : memref<1x100xi32, #tpu.memory_space<vmem>> -> memref<100xi32, #tpu.memory_space<vmem>>
      %dma_wait3A_93 = arith.constant 0 : i32
      %dma_wait3A_94 = arith.constant 0 : i32
      %dma_wait3A_95 = tpu.memref_slice %arg2[%dma_wait3A_93, %dma_wait3A_94] : memref<100001x128xf32, #tpu.memory_space<hbm>> -> memref<100001x128xf32, #tpu.memory_space<hbm>>
      tpu.wait_indirect_dma semaphore(%arg11 : memref<!tpu.dma_semaphore, #tpu.memory_space<semaphore_mem>>) src(%dma_wait3A_95 : memref<100001x128xf32, #tpu.memory_space<hbm>>) dst(%dma_wait3A_89 : memref<100x128xf32, #tpu.memory_space<vmem>>)
      %scan3A_96 = arith.constant 0 : i32
      %scan3A_97 = arith.constant 100 : i32
      %scan3A_98 = arith.addi %scan3A_96, %scan3A_97 : i32
      %scan3A_99 = arith.constant 2 : i32
      %scan3A_100:8 = scf.for %scan3A_302 = %scan3A_96 to %scan3A_98 step %scan3A_99 iter_args(%scan3A_303 = %scan3A_64, %scan3A_304 = %scan3A_65, %scan3A_305 = %scan3A_66, %scan3A_306 = %scan3A_67, %scan3A_307 = %scan3A_68, %scan3A_308 = %scan3A_69, %scan3A_309 = %scan3A_70, %scan3A_310 = %scan3A_71) -> (vector<16xf32>, vector<16xf32>, vector<16xf32>, vector<16xf32>, vector<16xf32>, vector<16xf32>, vector<16xf32>, vector<16xf32>)  : i32 {
        %mul3A_311 = arith.constant 1 : i32
        %mul3A_312 = arith.muli %scan3A_302, %mul3A_311 : i32
        %add3A_313 = arith.constant 0 : i32
        %add3A_314 = arith.addi %add3A_313, %mul3A_312 : i32
        %get3A_315 = arith.constant 0 : i32
        %get3A_316 = arith.index_cast %get3A_315 : i32 to index
        %get3A_317 = arith.index_cast %add3A_314 : i32 to index
        %get3A_318 = arith.constant 0 : index
        %get3A_319 = tpu.vector_load %arg8[%get3A_316, %get3A_317, %get3A_318] {strides = array<i32>} : memref<4x100x128xf32, #tpu.memory_space<vmem>>, vector<1x1x16xf32>,
        %get3A_320 = vector.shape_cast %get3A_319 : vector<1x1x16xf32> to vector<16xf32>
        %add3A_321 = arith.addf %scan3A_303, %get3A_320 : vector<16xf32>
        %get3A_322 = arith.constant 0 : i32
        %get3A_323 = arith.index_cast %get3A_322 : i32 to index
        %get3A_324 = arith.index_cast %add3A_314 : i32 to index
        %get3A_325 = arith.constant 16 : index
        %get3A_326 = tpu.vector_load %arg8[%get3A_323, %get3A_324, %get3A_325] {strides = array<i32>} : memref<4x100x128xf32, #tpu.memory_space<vmem>>, vector<1x1x16xf32>,
        %get3A_327 = vector.shape_cast %get3A_326 : vector<1x1x16xf32> to vector<16xf32>
        %add3A_328 = arith.addf %scan3A_304, %get3A_327 : vector<16xf32>
        %get3A_329 = arith.constant 0 : i32
        %get3A_330 = arith.index_cast %get3A_329 : i32 to index
        %get3A_331 = arith.index_cast %add3A_314 : i32 to index
        %get3A_332 = arith.constant 32 : index
        %get3A_333 = tpu.vector_load %arg8[%get3A_330, %get3A_331, %get3A_332] {strides = array<i32>} : memref<4x100x128xf32, #tpu.memory_space<vmem>>, vector<1x1x16xf32>,
        %get3A_334 = vector.shape_cast %get3A_333 : vector<1x1x16xf32> to vector<16xf32>
        %add3A_335 = arith.addf %scan3A_305, %get3A_334 : vector<16xf32>
        %get3A_336 = arith.constant 0 : i32
        %get3A_337 = arith.index_cast %get3A_336 : i32 to index
        %get3A_338 = arith.index_cast %add3A_314 : i32 to index
        %get3A_339 = arith.constant 48 : index
        %get3A_340 = tpu.vector_load %arg8[%get3A_337, %get3A_338, %get3A_339] {strides = array<i32>} : memref<4x100x128xf32, #tpu.memory_space<vmem>>, vector<1x1x16xf32>,
        %get3A_341 = vector.shape_cast %get3A_340 : vector<1x1x16xf32> to vector<16xf32>
        %add3A_342 = arith.addf %scan3A_306, %get3A_341 : vector<16xf32>
        %get3A_343 = arith.constant 0 : i32
        %get3A_344 = arith.index_cast %get3A_343 : i32 to index
        %get3A_345 = arith.index_cast %add3A_314 : i32 to index
        %get3A_346 = arith.constant 64 : index
        %get3A_347 = tpu.vector_load %arg8[%get3A_344, %get3A_345, %get3A_346] {strides = array<i32>} : memref<4x100x128xf32, #tpu.memory_space<vmem>>, vector<1x1x16xf32>,
        %get3A_348 = vector.shape_cast %get3A_347 : vector<1x1x16xf32> to vector<16xf32>
        %add3A_349 = arith.addf %scan3A_307, %get3A_348 : vector<16xf32>
        %get3A_350 = arith.constant 0 : i32
        %get3A_351 = arith.index_cast %get3A_350 : i32 to index
        %get3A_352 = arith.index_cast %add3A_314 : i32 to index
        %get3A_353 = arith.constant 80 : index
        %get3A_354 = tpu.vector_load %arg8[%get3A_351, %get3A_352, %get3A_353] {strides = array<i32>} : memref<4x100x128xf32, #tpu.memory_space<vmem>>, vector<1x1x16xf32>,
        %get3A_355 = vector.shape_cast %get3A_354 : vector<1x1x16xf32> to vector<16xf32>
        %add3A_356 = arith.addf %scan3A_308, %get3A_355 : vector<16xf32>
        %get3A_357 = arith.constant 0 : i32
        %get3A_358 = arith.index_cast %get3A_357 : i32 to index
        %get3A_359 = arith.index_cast %add3A_314 : i32 to index
        %get3A_360 = arith.constant 96 : index
        %get3A_361 = tpu.vector_load %arg8[%get3A_358, %get3A_359, %get3A_360] {strides = array<i32>} : memref<4x100x128xf32, #tpu.memory_space<vmem>>, vector<1x1x16xf32>,
        %get3A_362 = vector.shape_cast %get3A_361 : vector<1x1x16xf32> to vector<16xf32>
        %add3A_363 = arith.addf %scan3A_309, %get3A_362 : vector<16xf32>
        %get3A_364 = arith.constant 0 : i32
        %get3A_365 = arith.index_cast %get3A_364 : i32 to index
        %get3A_366 = arith.index_cast %add3A_314 : i32 to index
        %get3A_367 = arith.constant 112 : index
        %get3A_368 = tpu.vector_load %arg8[%get3A_365, %get3A_366, %get3A_367] {strides = array<i32>} : memref<4x100x128xf32, #tpu.memory_space<vmem>>, vector<1x1x16xf32>,
        %get3A_369 = vector.shape_cast %get3A_368 : vector<1x1x16xf32> to vector<16xf32>
        %add3A_370 = arith.addf %scan3A_310, %get3A_369 : vector<16xf32>
        %scan3A_371 = arith.constant 1 : i32
        %scan3A_372 = arith.addi %scan3A_302, %scan3A_371 : i32
        %mul3A_373 = arith.constant 1 : i32
        %mul3A_374 = arith.muli %scan3A_372, %mul3A_373 : i32
        %add3A_375 = arith.constant 0 : i32
        %add3A_376 = arith.addi %add3A_375, %mul3A_374 : i32
        %get3A_377 = arith.constant 0 : i32
        %get3A_378 = arith.index_cast %get3A_377 : i32 to index
        %get3A_379 = arith.index_cast %add3A_376 : i32 to index
        %get3A_380 = arith.constant 0 : index
        %get3A_381 = tpu.vector_load %arg8[%get3A_378, %get3A_379, %get3A_380] {strides = array<i32>} : memref<4x100x128xf32, #tpu.memory_space<vmem>>, vector<1x1x16xf32>,
        %get3A_382 = vector.shape_cast %get3A_381 : vector<1x1x16xf32> to vector<16xf32>
        %add3A_383 = arith.addf %add3A_321, %get3A_382 : vector<16xf32>
        %get3A_384 = arith.constant 0 : i32
        %get3A_385 = arith.index_cast %get3A_384 : i32 to index
        %get3A_386 = arith.index_cast %add3A_376 : i32 to index
        %get3A_387 = arith.constant 16 : index
        %get3A_388 = tpu.vector_load %arg8[%get3A_385, %get3A_386, %get3A_387] {strides = array<i32>} : memref<4x100x128xf32, #tpu.memory_space<vmem>>, vector<1x1x16xf32>,
        %get3A_389 = vector.shape_cast %get3A_388 : vector<1x1x16xf32> to vector<16xf32>
        %add3A_390 = arith.addf %add3A_328, %get3A_389 : vector<16xf32>
        %get3A_391 = arith.constant 0 : i32
        %get3A_392 = arith.index_cast %get3A_391 : i32 to index
        %get3A_393 = arith.index_cast %add3A_376 : i32 to index
        %get3A_394 = arith.constant 32 : index
        %get3A_395 = tpu.vector_load %arg8[%get3A_392, %get3A_393, %get3A_394] {strides = array<i32>} : memref<4x100x128xf32, #tpu.memory_space<vmem>>, vector<1x1x16xf32>,
        %get3A_396 = vector.shape_cast %get3A_395 : vector<1x1x16xf32> to vector<16xf32>
        %add3A_397 = arith.addf %add3A_335, %get3A_396 : vector<16xf32>
        %get3A_398 = arith.constant 0 : i32
        %get3A_399 = arith.index_cast %get3A_398 : i32 to index
        %get3A_400 = arith.index_cast %add3A_376 : i32 to index
        %get3A_401 = arith.constant 48 : index
        %get3A_402 = tpu.vector_load %arg8[%get3A_399, %get3A_400, %get3A_401] {strides = array<i32>} : memref<4x100x128xf32, #tpu.memory_space<vmem>>, vector<1x1x16xf32>,
        %get3A_403 = vector.shape_cast %get3A_402 : vector<1x1x16xf32> to vector<16xf32>
        %add3A_404 = arith.addf %add3A_342, %get3A_403 : vector<16xf32>
        %get3A_405 = arith.constant 0 : i32
        %get3A_406 = arith.index_cast %get3A_405 : i32 to index
        %get3A_407 = arith.index_cast %add3A_376 : i32 to index
        %get3A_408 = arith.constant 64 : index
        %get3A_409 = tpu.vector_load %arg8[%get3A_406, %get3A_407, %get3A_408] {strides = array<i32>} : memref<4x100x128xf32, #tpu.memory_space<vmem>>, vector<1x1x16xf32>,
        %get3A_410 = vector.shape_cast %get3A_409 : vector<1x1x16xf32> to vector<16xf32>
        %add3A_411 = arith.addf %add3A_349, %get3A_410 : vector<16xf32>
        %get3A_412 = arith.constant 0 : i32
        %get3A_413 = arith.index_cast %get3A_412 : i32 to index
        %get3A_414 = arith.index_cast %add3A_376 : i32 to index
        %get3A_415 = arith.constant 80 : index
        %get3A_416 = tpu.vector_load %arg8[%get3A_413, %get3A_414, %get3A_415] {strides = array<i32>} : memref<4x100x128xf32, #tpu.memory_space<vmem>>, vector<1x1x16xf32>,
        %get3A_417 = vector.shape_cast %get3A_416 : vector<1x1x16xf32> to vector<16xf32>
        %add3A_418 = arith.addf %add3A_356, %get3A_417 : vector<16xf32>
        %get3A_419 = arith.constant 0 : i32
        %get3A_420 = arith.index_cast %get3A_419 : i32 to index
        %get3A_421 = arith.index_cast %add3A_376 : i32 to index
        %get3A_422 = arith.constant 96 : index
        %get3A_423 = tpu.vector_load %arg8[%get3A_420, %get3A_421, %get3A_422] {strides = array<i32>} : memref<4x100x128xf32, #tpu.memory_space<vmem>>, vector<1x1x16xf32>,
        %get3A_424 = vector.shape_cast %get3A_423 : vector<1x1x16xf32> to vector<16xf32>
        %add3A_425 = arith.addf %add3A_363, %get3A_424 : vector<16xf32>
        %get3A_426 = arith.constant 0 : i32
        %get3A_427 = arith.index_cast %get3A_426 : i32 to index
        %get3A_428 = arith.index_cast %add3A_376 : i32 to index
        %get3A_429 = arith.constant 112 : index
        %get3A_430 = tpu.vector_load %arg8[%get3A_427, %get3A_428, %get3A_429] {strides = array<i32>} : memref<4x100x128xf32, #tpu.memory_space<vmem>>, vector<1x1x16xf32>,
        %get3A_431 = vector.shape_cast %get3A_430 : vector<1x1x16xf32> to vector<16xf32>
        %add3A_432 = arith.addf %add3A_370, %get3A_431 : vector<16xf32>
        scf.yield %add3A_383, %add3A_390, %add3A_397, %add3A_404, %add3A_411, %add3A_418, %add3A_425, %add3A_432 : vector<16xf32>, vector<16xf32>, vector<16xf32>, vector<16xf32>, vector<16xf32>, vector<16xf32>, vector<16xf32>, vector<16xf32>
      }
      %scan3A_101 = arith.constant 100 : i32
      %add3A_102 = arith.constant 1 : i32
      %add3A_103 = arith.addi %mul3A_77, %add3A_102 : i32
      %add3A_104 = arith.constant 4 : i32
      %add3A_105 = arith.addi %add3A_103, %add3A_104 : i32
      %sub3A_106 = arith.constant 1 : i32
      %sub3A_107 = arith.subi %add3A_105, %sub3A_106 : i32
      %lt3A_108 = arith.constant 256 : i32
      %lt3A_109 = arith.cmpi slt, %sub3A_107, %lt3A_108 : i32
      %convert_element_type3A_110 = arith.extui %lt3A_109 : i1 to i32
      %cond3A_111 = arith.constant 0 : i32
      %cond3A_112 = arith.cmpi ne, %convert_element_type3A_110, %cond3A_111 : i32
      scf.if %cond3A_112 {
        %add3A_302 = arith.constant 4 : i32
        %add3A_303 = arith.addi %add3A_103, %add3A_302 : i32
        %sub3A_304 = arith.constant 1 : i32
        %sub3A_305 = arith.subi %add3A_303, %sub3A_304 : i32
        %dma_start3A_306 = arith.constant 0 : i32
        %dma_start3A_307 = arith.constant 0 : i32
        %dma_start3A_308 = arith.constant 0 : i32
        %dma_start3A_309 = tpu.memref_slice %arg8[%dma_start3A_306, %dma_start3A_307, %dma_start3A_308] : memref<4x100x128xf32, #tpu.memory_space<vmem>> -> memref<1x100x128xf32, #tpu.memory_space<vmem>>
        %dma_start3A_310 = tpu.memref_squeeze %dma_start3A_309 : memref<1x100x128xf32, #tpu.memory_space<vmem>> -> memref<100x128xf32, #tpu.memory_space<vmem>>
        %dma_start3A_311 = arith.constant 0 : i32
        %dma_start3A_312 = tpu.memref_slice %arg6[%sub3A_305, %dma_start3A_311] : memref<256x100xi32, #tpu.memory_space<vmem>> -> memref<1x100xi32, #tpu.memory_space<vmem>>
        %dma_start3A_313 = tpu.memref_squeeze %dma_start3A_312 : memref<1x100xi32, #tpu.memory_space<vmem>> -> memref<100xi32, #tpu.memory_space<vmem>>
        %dma_start3A_314 = arith.constant 0 : i32
        %dma_start3A_315 = arith.constant 0 : i32
        %dma_start3A_316 = tpu.memref_slice %arg2[%dma_start3A_314, %dma_start3A_315] : memref<100001x128xf32, #tpu.memory_space<hbm>> -> memref<100001x128xf32, #tpu.memory_space<hbm>>
        tpu.enqueue_indirect_dma source(%dma_start3A_316 : memref<100001x128xf32, #tpu.memory_space<hbm>>) target(%dma_start3A_310 : memref<100x128xf32, #tpu.memory_space<vmem>>) offsets(%dma_start3A_313 : memref<100xi32, #tpu.memory_space<vmem>>) semaphore(%arg11 : memref<!tpu.dma_semaphore, #tpu.memory_space<semaphore_mem>>)
      } else {
      }
      %dma_wait3A_113 = arith.constant 1 : i32
      %dma_wait3A_114 = arith.constant 0 : i32
      %dma_wait3A_115 = arith.constant 0 : i32
      %dma_wait3A_116 = tpu.memref_slice %arg8[%dma_wait3A_113, %dma_wait3A_114, %dma_wait3A_115] : memref<4x100x128xf32, #tpu.memory_space<vmem>> -> memref<1x100x128xf32, #tpu.memory_space<vmem>>
      %dma_wait3A_117 = tpu.memref_squeeze %dma_wait3A_116 : memref<1x100x128xf32, #tpu.memory_space<vmem>> -> memref<100x128xf32, #tpu.memory_space<vmem>>
      %dma_wait3A_118 = arith.constant 0 : i32
      %dma_wait3A_119 = tpu.memref_slice %arg6[%add3A_103, %dma_wait3A_118] : memref<256x100xi32, #tpu.memory_space<vmem>> -> memref<1x100xi32, #tpu.memory_space<vmem>>
      %dma_wait3A_120 = tpu.memref_squeeze %dma_wait3A_119 : memref<1x100xi32, #tpu.memory_space<vmem>> -> memref<100xi32, #tpu.memory_space<vmem>>
      %dma_wait3A_121 = arith.constant 0 : i32
      %dma_wait3A_122 = arith.constant 0 : i32
      %dma_wait3A_123 = tpu.memref_slice %arg2[%dma_wait3A_121, %dma_wait3A_122] : memref<100001x128xf32, #tpu.memory_space<hbm>> -> memref<100001x128xf32, #tpu.memory_space<hbm>>
      tpu.wait_indirect_dma semaphore(%arg12 : memref<!tpu.dma_semaphore, #tpu.memory_space<semaphore_mem>>) src(%dma_wait3A_123 : memref<100001x128xf32, #tpu.memory_space<hbm>>) dst(%dma_wait3A_117 : memref<100x128xf32, #tpu.memory_space<vmem>>)
      %scan3A_124 = arith.constant 0 : i32
      %scan3A_125 = arith.constant 100 : i32
      %scan3A_126 = arith.addi %scan3A_124, %scan3A_125 : i32
      %scan3A_127 = arith.constant 2 : i32
      %scan3A_128:8 = scf.for %scan3A_302 = %scan3A_124 to %scan3A_126 step %scan3A_127 iter_args(%scan3A_303 = %scan3A_100#0, %scan3A_304 = %scan3A_100#1, %scan3A_305 = %scan3A_100#2, %scan3A_306 = %scan3A_100#3, %scan3A_307 = %scan3A_100#4, %scan3A_308 = %scan3A_100#5, %scan3A_309 = %scan3A_100#6, %scan3A_310 = %scan3A_100#7) -> (vector<16xf32>, vector<16xf32>, vector<16xf32>, vector<16xf32>, vector<16xf32>, vector<16xf32>, vector<16xf32>, vector<16xf32>)  : i32 {
        %mul3A_311 = arith.constant 1 : i32
        %mul3A_312 = arith.muli %scan3A_302, %mul3A_311 : i32
        %add3A_313 = arith.constant 0 : i32
        %add3A_314 = arith.addi %add3A_313, %mul3A_312 : i32
        %get3A_315 = arith.constant 1 : i32
        %get3A_316 = arith.index_cast %get3A_315 : i32 to index
        %get3A_317 = arith.index_cast %add3A_314 : i32 to index
        %get3A_318 = arith.constant 0 : index
        %get3A_319 = tpu.vector_load %arg8[%get3A_316, %get3A_317, %get3A_318] {strides = array<i32>} : memref<4x100x128xf32, #tpu.memory_space<vmem>>, vector<1x1x16xf32>,
        %get3A_320 = vector.shape_cast %get3A_319 : vector<1x1x16xf32> to vector<16xf32>
        %add3A_321 = arith.addf %scan3A_303, %get3A_320 : vector<16xf32>
        %get3A_322 = arith.constant 1 : i32
        %get3A_323 = arith.index_cast %get3A_322 : i32 to index
        %get3A_324 = arith.index_cast %add3A_314 : i32 to index
        %get3A_325 = arith.constant 16 : index
        %get3A_326 = tpu.vector_load %arg8[%get3A_323, %get3A_324, %get3A_325] {strides = array<i32>} : memref<4x100x128xf32, #tpu.memory_space<vmem>>, vector<1x1x16xf32>,
        %get3A_327 = vector.shape_cast %get3A_326 : vector<1x1x16xf32> to vector<16xf32>
        %add3A_328 = arith.addf %scan3A_304, %get3A_327 : vector<16xf32>
        %get3A_329 = arith.constant 1 : i32
        %get3A_330 = arith.index_cast %get3A_329 : i32 to index
        %get3A_331 = arith.index_cast %add3A_314 : i32 to index
        %get3A_332 = arith.constant 32 : index
        %get3A_333 = tpu.vector_load %arg8[%get3A_330, %get3A_331, %get3A_332] {strides = array<i32>} : memref<4x100x128xf32, #tpu.memory_space<vmem>>, vector<1x1x16xf32>,
        %get3A_334 = vector.shape_cast %get3A_333 : vector<1x1x16xf32> to vector<16xf32>
        %add3A_335 = arith.addf %scan3A_305, %get3A_334 : vector<16xf32>
        %get3A_336 = arith.constant 1 : i32
        %get3A_337 = arith.index_cast %get3A_336 : i32 to index
        %get3A_338 = arith.index_cast %add3A_314 : i32 to index
        %get3A_339 = arith.constant 48 : index
        %get3A_340 = tpu.vector_load %arg8[%get3A_337, %get3A_338, %get3A_339] {strides = array<i32>} : memref<4x100x128xf32, #tpu.memory_space<vmem>>, vector<1x1x16xf32>,
        %get3A_341 = vector.shape_cast %get3A_340 : vector<1x1x16xf32> to vector<16xf32>
        %add3A_342 = arith.addf %scan3A_306, %get3A_341 : vector<16xf32>
        %get3A_343 = arith.constant 1 : i32
        %get3A_344 = arith.index_cast %get3A_343 : i32 to index
        %get3A_345 = arith.index_cast %add3A_314 : i32 to index
        %get3A_346 = arith.constant 64 : index
        %get3A_347 = tpu.vector_load %arg8[%get3A_344, %get3A_345, %get3A_346] {strides = array<i32>} : memref<4x100x128xf32, #tpu.memory_space<vmem>>, vector<1x1x16xf32>,
        %get3A_348 = vector.shape_cast %get3A_347 : vector<1x1x16xf32> to vector<16xf32>
        %add3A_349 = arith.addf %scan3A_307, %get3A_348 : vector<16xf32>
        %get3A_350 = arith.constant 1 : i32
        %get3A_351 = arith.index_cast %get3A_350 : i32 to index
        %get3A_352 = arith.index_cast %add3A_314 : i32 to index
        %get3A_353 = arith.constant 80 : index
        %get3A_354 = tpu.vector_load %arg8[%get3A_351, %get3A_352, %get3A_353] {strides = array<i32>} : memref<4x100x128xf32, #tpu.memory_space<vmem>>, vector<1x1x16xf32>,
        %get3A_355 = vector.shape_cast %get3A_354 : vector<1x1x16xf32> to vector<16xf32>
        %add3A_356 = arith.addf %scan3A_308, %get3A_355 : vector<16xf32>
        %get3A_357 = arith.constant 1 : i32
        %get3A_358 = arith.index_cast %get3A_357 : i32 to index
        %get3A_359 = arith.index_cast %add3A_314 : i32 to index
        %get3A_360 = arith.constant 96 : index
        %get3A_361 = tpu.vector_load %arg8[%get3A_358, %get3A_359, %get3A_360] {strides = array<i32>} : memref<4x100x128xf32, #tpu.memory_space<vmem>>, vector<1x1x16xf32>,
        %get3A_362 = vector.shape_cast %get3A_361 : vector<1x1x16xf32> to vector<16xf32>
        %add3A_363 = arith.addf %scan3A_309, %get3A_362 : vector<16xf32>
        %get3A_364 = arith.constant 1 : i32
        %get3A_365 = arith.index_cast %get3A_364 : i32 to index
        %get3A_366 = arith.index_cast %add3A_314 : i32 to index
        %get3A_367 = arith.constant 112 : index
        %get3A_368 = tpu.vector_load %arg8[%get3A_365, %get3A_366, %get3A_367] {strides = array<i32>} : memref<4x100x128xf32, #tpu.memory_space<vmem>>, vector<1x1x16xf32>,
        %get3A_369 = vector.shape_cast %get3A_368 : vector<1x1x16xf32> to vector<16xf32>
        %add3A_370 = arith.addf %scan3A_310, %get3A_369 : vector<16xf32>
        %scan3A_371 = arith.constant 1 : i32
        %scan3A_372 = arith.addi %scan3A_302, %scan3A_371 : i32
        %mul3A_373 = arith.constant 1 : i32
        %mul3A_374 = arith.muli %scan3A_372, %mul3A_373 : i32
        %add3A_375 = arith.constant 0 : i32
        %add3A_376 = arith.addi %add3A_375, %mul3A_374 : i32
        %get3A_377 = arith.constant 1 : i32
        %get3A_378 = arith.index_cast %get3A_377 : i32 to index
        %get3A_379 = arith.index_cast %add3A_376 : i32 to index
        %get3A_380 = arith.constant 0 : index
        %get3A_381 = tpu.vector_load %arg8[%get3A_378, %get3A_379, %get3A_380] {strides = array<i32>} : memref<4x100x128xf32, #tpu.memory_space<vmem>>, vector<1x1x16xf32>,
        %get3A_382 = vector.shape_cast %get3A_381 : vector<1x1x16xf32> to vector<16xf32>
        %add3A_383 = arith.addf %add3A_321, %get3A_382 : vector<16xf32>
        %get3A_384 = arith.constant 1 : i32
        %get3A_385 = arith.index_cast %get3A_384 : i32 to index
        %get3A_386 = arith.index_cast %add3A_376 : i32 to index
        %get3A_387 = arith.constant 16 : index
        %get3A_388 = tpu.vector_load %arg8[%get3A_385, %get3A_386, %get3A_387] {strides = array<i32>} : memref<4x100x128xf32, #tpu.memory_space<vmem>>, vector<1x1x16xf32>,
        %get3A_389 = vector.shape_cast %get3A_388 : vector<1x1x16xf32> to vector<16xf32>
        %add3A_390 = arith.addf %add3A_328, %get3A_389 : vector<16xf32>
        %get3A_391 = arith.constant 1 : i32
        %get3A_392 = arith.index_cast %get3A_391 : i32 to index
        %get3A_393 = arith.index_cast %add3A_376 : i32 to index
        %get3A_394 = arith.constant 32 : index
        %get3A_395 = tpu.vector_load %arg8[%get3A_392, %get3A_393, %get3A_394] {strides = array<i32>} : memref<4x100x128xf32, #tpu.memory_space<vmem>>, vector<1x1x16xf32>,
        %get3A_396 = vector.shape_cast %get3A_395 : vector<1x1x16xf32> to vector<16xf32>
        %add3A_397 = arith.addf %add3A_335, %get3A_396 : vector<16xf32>
        %get3A_398 = arith.constant 1 : i32
        %get3A_399 = arith.index_cast %get3A_398 : i32 to index
        %get3A_400 = arith.index_cast %add3A_376 : i32 to index
        %get3A_401 = arith.constant 48 : index
        %get3A_402 = tpu.vector_load %arg8[%get3A_399, %get3A_400, %get3A_401] {strides = array<i32>} : memref<4x100x128xf32, #tpu.memory_space<vmem>>, vector<1x1x16xf32>,
        %get3A_403 = vector.shape_cast %get3A_402 : vector<1x1x16xf32> to vector<16xf32>
        %add3A_404 = arith.addf %add3A_342, %get3A_403 : vector<16xf32>
        %get3A_405 = arith.constant 1 : i32
        %get3A_406 = arith.index_cast %get3A_405 : i32 to index
        %get3A_407 = arith.index_cast %add3A_376 : i32 to index
        %get3A_408 = arith.constant 64 : index
        %get3A_409 = tpu.vector_load %arg8[%get3A_406, %get3A_407, %get3A_408] {strides = array<i32>} : memref<4x100x128xf32, #tpu.memory_space<vmem>>, vector<1x1x16xf32>,
        %get3A_410 = vector.shape_cast %get3A_409 : vector<1x1x16xf32> to vector<16xf32>
        %add3A_411 = arith.addf %add3A_349, %get3A_410 : vector<16xf32>
        %get3A_412 = arith.constant 1 : i32
        %get3A_413 = arith.index_cast %get3A_412 : i32 to index
        %get3A_414 = arith.index_cast %add3A_376 : i32 to index
        %get3A_415 = arith.constant 80 : index
        %get3A_416 = tpu.vector_load %arg8[%get3A_413, %get3A_414, %get3A_415] {strides = array<i32>} : memref<4x100x128xf32, #tpu.memory_space<vmem>>, vector<1x1x16xf32>,
        %get3A_417 = vector.shape_cast %get3A_416 : vector<1x1x16xf32> to vector<16xf32>
        %add3A_418 = arith.addf %add3A_356, %get3A_417 : vector<16xf32>
        %get3A_419 = arith.constant 1 : i32
        %get3A_420 = arith.index_cast %get3A_419 : i32 to index
        %get3A_421 = arith.index_cast %add3A_376 : i32 to index
        %get3A_422 = arith.constant 96 : index
        %get3A_423 = tpu.vector_load %arg8[%get3A_420, %get3A_421, %get3A_422] {strides = array<i32>} : memref<4x100x128xf32, #tpu.memory_space<vmem>>, vector<1x1x16xf32>,
        %get3A_424 = vector.shape_cast %get3A_423 : vector<1x1x16xf32> to vector<16xf32>
        %add3A_425 = arith.addf %add3A_363, %get3A_424 : vector<16xf32>
        %get3A_426 = arith.constant 1 : i32
        %get3A_427 = arith.index_cast %get3A_426 : i32 to index
        %get3A_428 = arith.index_cast %add3A_376 : i32 to index
        %get3A_429 = arith.constant 112 : index
        %get3A_430 = tpu.vector_load %arg8[%get3A_427, %get3A_428, %get3A_429] {strides = array<i32>} : memref<4x100x128xf32, #tpu.memory_space<vmem>>, vector<1x1x16xf32>,
        %get3A_431 = vector.shape_cast %get3A_430 : vector<1x1x16xf32> to vector<16xf32>
        %add3A_432 = arith.addf %add3A_370, %get3A_431 : vector<16xf32>
        scf.yield %add3A_383, %add3A_390, %add3A_397, %add3A_404, %add3A_411, %add3A_418, %add3A_425, %add3A_432 : vector<16xf32>, vector<16xf32>, vector<16xf32>, vector<16xf32>, vector<16xf32>, vector<16xf32>, vector<16xf32>, vector<16xf32>
      }
      %scan3A_129 = arith.constant 100 : i32
      %mul3A_130 = arith.constant 2 : i32
      %mul3A_131 = arith.muli %add3A_75, %mul3A_130 : i32
      %add3A_132 = arith.constant 0 : i32
      %add3A_133 = arith.addi %mul3A_131, %add3A_132 : i32
      %broadcast_in_dim3A_134 = arith.constant 0.000000e+00 : f32
      %broadcast_in_dim3A_135 = vector.broadcast %broadcast_in_dim3A_134 : f32 to vector<16xf32>
      %get3A = arith.index_cast %add3A_133 : i32 to index
      %get3A_136 = arith.constant 0 : index
      %get3A_137 = tpu.vector_load %arg9[%get3A, %get3A_136] {strides = array<i32>} : memref<128x128xf32, #tpu.memory_space<vmem>>, vector<1x16xf32>,
      %get3A_138 = vector.shape_cast %get3A_137 : vector<1x16xf32> to vector<16xf32>
      %mul3A_139 = arith.mulf %scan3A_128#0, %get3A_138 : vector<16xf32>
      %add3A_140 = arith.addf %broadcast_in_dim3A_135, %mul3A_139 : vector<16xf32>
      %get3A_141 = arith.index_cast %add3A_133 : i32 to index
      %get3A_142 = arith.constant 16 : index
      %get3A_143 = tpu.vector_load %arg9[%get3A_141, %get3A_142] {strides = array<i32>} : memref<128x128xf32, #tpu.memory_space<vmem>>, vector<1x16xf32>,
      %get3A_144 = vector.shape_cast %get3A_143 : vector<1x16xf32> to vector<16xf32>
      %mul3A_145 = arith.mulf %scan3A_128#1, %get3A_144 : vector<16xf32>
      %add3A_146 = arith.addf %add3A_140, %mul3A_145 : vector<16xf32>
      %get3A_147 = arith.index_cast %add3A_133 : i32 to index
      %get3A_148 = arith.constant 32 : index
      %get3A_149 = tpu.vector_load %arg9[%get3A_147, %get3A_148] {strides = array<i32>} : memref<128x128xf32, #tpu.memory_space<vmem>>, vector<1x16xf32>,
      %get3A_150 = vector.shape_cast %get3A_149 : vector<1x16xf32> to vector<16xf32>
      %mul3A_151 = arith.mulf %scan3A_128#2, %get3A_150 : vector<16xf32>
      %add3A_152 = arith.addf %add3A_146, %mul3A_151 : vector<16xf32>
      %get3A_153 = arith.index_cast %add3A_133 : i32 to index
      %get3A_154 = arith.constant 48 : index
      %get3A_155 = tpu.vector_load %arg9[%get3A_153, %get3A_154] {strides = array<i32>} : memref<128x128xf32, #tpu.memory_space<vmem>>, vector<1x16xf32>,
      %get3A_156 = vector.shape_cast %get3A_155 : vector<1x16xf32> to vector<16xf32>
      %mul3A_157 = arith.mulf %scan3A_128#3, %get3A_156 : vector<16xf32>
      %add3A_158 = arith.addf %add3A_152, %mul3A_157 : vector<16xf32>
      %get3A_159 = arith.index_cast %add3A_133 : i32 to index
      %get3A_160 = arith.constant 64 : index
      %get3A_161 = tpu.vector_load %arg9[%get3A_159, %get3A_160] {strides = array<i32>} : memref<128x128xf32, #tpu.memory_space<vmem>>, vector<1x16xf32>,
      %get3A_162 = vector.shape_cast %get3A_161 : vector<1x16xf32> to vector<16xf32>
      %mul3A_163 = arith.mulf %scan3A_128#4, %get3A_162 : vector<16xf32>
      %add3A_164 = arith.addf %add3A_158, %mul3A_163 : vector<16xf32>
      %get3A_165 = arith.index_cast %add3A_133 : i32 to index
      %get3A_166 = arith.constant 80 : index
      %get3A_167 = tpu.vector_load %arg9[%get3A_165, %get3A_166] {strides = array<i32>} : memref<128x128xf32, #tpu.memory_space<vmem>>, vector<1x16xf32>,
      %get3A_168 = vector.shape_cast %get3A_167 : vector<1x16xf32> to vector<16xf32>
      %mul3A_169 = arith.mulf %scan3A_128#5, %get3A_168 : vector<16xf32>
      %add3A_170 = arith.addf %add3A_164, %mul3A_169 : vector<16xf32>
      %get3A_171 = arith.index_cast %add3A_133 : i32 to index
      %get3A_172 = arith.constant 96 : index
      %get3A_173 = tpu.vector_load %arg9[%get3A_171, %get3A_172] {strides = array<i32>} : memref<128x128xf32, #tpu.memory_space<vmem>>, vector<1x16xf32>,
      %get3A_174 = vector.shape_cast %get3A_173 : vector<1x16xf32> to vector<16xf32>
      %mul3A_175 = arith.mulf %scan3A_128#6, %get3A_174 : vector<16xf32>
      %add3A_176 = arith.addf %add3A_170, %mul3A_175 : vector<16xf32>
      %get3A_177 = arith.index_cast %add3A_133 : i32 to index
      %get3A_178 = arith.constant 112 : index
      %get3A_179 = tpu.vector_load %arg9[%get3A_177, %get3A_178] {strides = array<i32>} : memref<128x128xf32, #tpu.memory_space<vmem>>, vector<1x16xf32>,
      %get3A_180 = vector.shape_cast %get3A_179 : vector<1x16xf32> to vector<16xf32>
      %mul3A_181 = arith.mulf %scan3A_128#7, %get3A_180 : vector<16xf32>
      %add3A_182 = arith.addf %add3A_176, %mul3A_181 : vector<16xf32>
      %swap3A = arith.index_cast %add3A_133 : i32 to index
      %swap3A_183 = arith.constant 0 : index
      %swap3A_184 = tpu.vector_load %arg10[%swap3A, %swap3A_183] {strides = array<i32>} : memref<128x16xf32, #tpu.memory_space<vmem>>, vector<1x16xf32>,
      %swap3A_185 = vector.shape_cast %swap3A_184 : vector<1x16xf32> to vector<16xf32>
      %swap3A_186 = vector.shape_cast %add3A_182 : vector<16xf32> to vector<1x16xf32>
      tpu.vector_store %arg10[%swap3A, %swap3A_183], %swap3A_186 {strides = array<i32>} : memref<128x16xf32, #tpu.memory_space<vmem>>, vector<1x16xf32>,
      %add3A_187 = arith.constant 2 : i32
      %add3A_188 = arith.addi %mul3A_77, %add3A_187 : i32
      %add3A_189 = arith.constant 4 : i32
      %add3A_190 = arith.addi %add3A_188, %add3A_189 : i32
      %sub3A_191 = arith.constant 1 : i32
      %sub3A_192 = arith.subi %add3A_190, %sub3A_191 : i32
      %lt3A_193 = arith.constant 256 : i32
      %lt3A_194 = arith.cmpi slt, %sub3A_192, %lt3A_193 : i32
      %convert_element_type3A_195 = arith.extui %lt3A_194 : i1 to i32
      %cond3A_196 = arith.constant 0 : i32
      %cond3A_197 = arith.cmpi ne, %convert_element_type3A_195, %cond3A_196 : i32
      scf.if %cond3A_197 {
        %add3A_302 = arith.constant 4 : i32
        %add3A_303 = arith.addi %add3A_188, %add3A_302 : i32
        %sub3A_304 = arith.constant 1 : i32
        %sub3A_305 = arith.subi %add3A_303, %sub3A_304 : i32
        %dma_start3A_306 = arith.constant 1 : i32
        %dma_start3A_307 = arith.constant 0 : i32
        %dma_start3A_308 = arith.constant 0 : i32
        %dma_start3A_309 = tpu.memref_slice %arg8[%dma_start3A_306, %dma_start3A_307, %dma_start3A_308] : memref<4x100x128xf32, #tpu.memory_space<vmem>> -> memref<1x100x128xf32, #tpu.memory_space<vmem>>
        %dma_start3A_310 = tpu.memref_squeeze %dma_start3A_309 : memref<1x100x128xf32, #tpu.memory_space<vmem>> -> memref<100x128xf32, #tpu.memory_space<vmem>>
        %dma_start3A_311 = arith.constant 0 : i32
        %dma_start3A_312 = tpu.memref_slice %arg6[%sub3A_305, %dma_start3A_311] : memref<256x100xi32, #tpu.memory_space<vmem>> -> memref<1x100xi32, #tpu.memory_space<vmem>>
        %dma_start3A_313 = tpu.memref_squeeze %dma_start3A_312 : memref<1x100xi32, #tpu.memory_space<vmem>> -> memref<100xi32, #tpu.memory_space<vmem>>
        %dma_start3A_314 = arith.constant 0 : i32
        %dma_start3A_315 = arith.constant 0 : i32
        %dma_start3A_316 = tpu.memref_slice %arg2[%dma_start3A_314, %dma_start3A_315] : memref<100001x128xf32, #tpu.memory_space<hbm>> -> memref<100001x128xf32, #tpu.memory_space<hbm>>
        tpu.enqueue_indirect_dma source(%dma_start3A_316 : memref<100001x128xf32, #tpu.memory_space<hbm>>) target(%dma_start3A_310 : memref<100x128xf32, #tpu.memory_space<vmem>>) offsets(%dma_start3A_313 : memref<100xi32, #tpu.memory_space<vmem>>) semaphore(%arg12 : memref<!tpu.dma_semaphore, #tpu.memory_space<semaphore_mem>>)
      } else {
      }
      %dma_wait3A_198 = arith.constant 2 : i32
      %dma_wait3A_199 = arith.constant 0 : i32
      %dma_wait3A_200 = arith.constant 0 : i32
      %dma_wait3A_201 = tpu.memref_slice %arg8[%dma_wait3A_198, %dma_wait3A_199, %dma_wait3A_200] : memref<4x100x128xf32, #tpu.memory_space<vmem>> -> memref<1x100x128xf32, #tpu.memory_space<vmem>>
      %dma_wait3A_202 = tpu.memref_squeeze %dma_wait3A_201 : memref<1x100x128xf32, #tpu.memory_space<vmem>> -> memref<100x128xf32, #tpu.memory_space<vmem>>
      %dma_wait3A_203 = arith.constant 0 : i32
      %dma_wait3A_204 = tpu.memref_slice %arg6[%add3A_188, %dma_wait3A_203] : memref<256x100xi32, #tpu.memory_space<vmem>> -> memref<1x100xi32, #tpu.memory_space<vmem>>
      %dma_wait3A_205 = tpu.memref_squeeze %dma_wait3A_204 : memref<1x100xi32, #tpu.memory_space<vmem>> -> memref<100xi32, #tpu.memory_space<vmem>>
      %dma_wait3A_206 = arith.constant 0 : i32
      %dma_wait3A_207 = arith.constant 0 : i32
      %dma_wait3A_208 = tpu.memref_slice %arg2[%dma_wait3A_206, %dma_wait3A_207] : memref<100001x128xf32, #tpu.memory_space<hbm>> -> memref<100001x128xf32, #tpu.memory_space<hbm>>
      tpu.wait_indirect_dma semaphore(%arg13 : memref<!tpu.dma_semaphore, #tpu.memory_space<semaphore_mem>>) src(%dma_wait3A_208 : memref<100001x128xf32, #tpu.memory_space<hbm>>) dst(%dma_wait3A_202 : memref<100x128xf32, #tpu.memory_space<vmem>>)
      %scan3A_209 = arith.constant 0 : i32
      %scan3A_210 = arith.constant 100 : i32
      %scan3A_211 = arith.addi %scan3A_209, %scan3A_210 : i32
      %scan3A_212 = arith.constant 2 : i32
      %scan3A_213:8 = scf.for %scan3A_302 = %scan3A_209 to %scan3A_211 step %scan3A_212 iter_args(%scan3A_303 = %broadcast_in_dim3A_43, %scan3A_304 = %broadcast_in_dim3A_45, %scan3A_305 = %broadcast_in_dim3A_47, %scan3A_306 = %broadcast_in_dim3A_49, %scan3A_307 = %broadcast_in_dim3A_51, %scan3A_308 = %broadcast_in_dim3A_53, %scan3A_309 = %broadcast_in_dim3A_55, %scan3A_310 = %broadcast_in_dim3A_57) -> (vector<16xf32>, vector<16xf32>, vector<16xf32>, vector<16xf32>, vector<16xf32>, vector<16xf32>, vector<16xf32>, vector<16xf32>)  : i32 {
        %mul3A_311 = arith.constant 1 : i32
        %mul3A_312 = arith.muli %scan3A_302, %mul3A_311 : i32
        %add3A_313 = arith.constant 0 : i32
        %add3A_314 = arith.addi %add3A_313, %mul3A_312 : i32
        %get3A_315 = arith.constant 2 : i32
        %get3A_316 = arith.index_cast %get3A_315 : i32 to index
        %get3A_317 = arith.index_cast %add3A_314 : i32 to index
        %get3A_318 = arith.constant 0 : index
        %get3A_319 = tpu.vector_load %arg8[%get3A_316, %get3A_317, %get3A_318] {strides = array<i32>} : memref<4x100x128xf32, #tpu.memory_space<vmem>>, vector<1x1x16xf32>,
        %get3A_320 = vector.shape_cast %get3A_319 : vector<1x1x16xf32> to vector<16xf32>
        %add3A_321 = arith.addf %scan3A_303, %get3A_320 : vector<16xf32>
        %get3A_322 = arith.constant 2 : i32
        %get3A_323 = arith.index_cast %get3A_322 : i32 to index
        %get3A_324 = arith.index_cast %add3A_314 : i32 to index
        %get3A_325 = arith.constant 16 : index
        %get3A_326 = tpu.vector_load %arg8[%get3A_323, %get3A_324, %get3A_325] {strides = array<i32>} : memref<4x100x128xf32, #tpu.memory_space<vmem>>, vector<1x1x16xf32>,
        %get3A_327 = vector.shape_cast %get3A_326 : vector<1x1x16xf32> to vector<16xf32>
        %add3A_328 = arith.addf %scan3A_304, %get3A_327 : vector<16xf32>
        %get3A_329 = arith.constant 2 : i32
        %get3A_330 = arith.index_cast %get3A_329 : i32 to index
        %get3A_331 = arith.index_cast %add3A_314 : i32 to index
        %get3A_332 = arith.constant 32 : index
        %get3A_333 = tpu.vector_load %arg8[%get3A_330, %get3A_331, %get3A_332] {strides = array<i32>} : memref<4x100x128xf32, #tpu.memory_space<vmem>>, vector<1x1x16xf32>,
        %get3A_334 = vector.shape_cast %get3A_333 : vector<1x1x16xf32> to vector<16xf32>
        %add3A_335 = arith.addf %scan3A_305, %get3A_334 : vector<16xf32>
        %get3A_336 = arith.constant 2 : i32
        %get3A_337 = arith.index_cast %get3A_336 : i32 to index
        %get3A_338 = arith.index_cast %add3A_314 : i32 to index
        %get3A_339 = arith.constant 48 : index
        %get3A_340 = tpu.vector_load %arg8[%get3A_337, %get3A_338, %get3A_339] {strides = array<i32>} : memref<4x100x128xf32, #tpu.memory_space<vmem>>, vector<1x1x16xf32>,
        %get3A_341 = vector.shape_cast %get3A_340 : vector<1x1x16xf32> to vector<16xf32>
        %add3A_342 = arith.addf %scan3A_306, %get3A_341 : vector<16xf32>
        %get3A_343 = arith.constant 2 : i32
        %get3A_344 = arith.index_cast %get3A_343 : i32 to index
        %get3A_345 = arith.index_cast %add3A_314 : i32 to index
        %get3A_346 = arith.constant 64 : index
        %get3A_347 = tpu.vector_load %arg8[%get3A_344, %get3A_345, %get3A_346] {strides = array<i32>} : memref<4x100x128xf32, #tpu.memory_space<vmem>>, vector<1x1x16xf32>,
        %get3A_348 = vector.shape_cast %get3A_347 : vector<1x1x16xf32> to vector<16xf32>
        %add3A_349 = arith.addf %scan3A_307, %get3A_348 : vector<16xf32>
        %get3A_350 = arith.constant 2 : i32
        %get3A_351 = arith.index_cast %get3A_350 : i32 to index
        %get3A_352 = arith.index_cast %add3A_314 : i32 to index
        %get3A_353 = arith.constant 80 : index
        %get3A_354 = tpu.vector_load %arg8[%get3A_351, %get3A_352, %get3A_353] {strides = array<i32>} : memref<4x100x128xf32, #tpu.memory_space<vmem>>, vector<1x1x16xf32>,
        %get3A_355 = vector.shape_cast %get3A_354 : vector<1x1x16xf32> to vector<16xf32>
        %add3A_356 = arith.addf %scan3A_308, %get3A_355 : vector<16xf32>
        %get3A_357 = arith.constant 2 : i32
        %get3A_358 = arith.index_cast %get3A_357 : i32 to index
        %get3A_359 = arith.index_cast %add3A_314 : i32 to index
        %get3A_360 = arith.constant 96 : index
        %get3A_361 = tpu.vector_load %arg8[%get3A_358, %get3A_359, %get3A_360] {strides = array<i32>} : memref<4x100x128xf32, #tpu.memory_space<vmem>>, vector<1x1x16xf32>,
        %get3A_362 = vector.shape_cast %get3A_361 : vector<1x1x16xf32> to vector<16xf32>
        %add3A_363 = arith.addf %scan3A_309, %get3A_362 : vector<16xf32>
        %get3A_364 = arith.constant 2 : i32
        %get3A_365 = arith.index_cast %get3A_364 : i32 to index
        %get3A_366 = arith.index_cast %add3A_314 : i32 to index
        %get3A_367 = arith.constant 112 : index
        %get3A_368 = tpu.vector_load %arg8[%get3A_365, %get3A_366, %get3A_367] {strides = array<i32>} : memref<4x100x128xf32, #tpu.memory_space<vmem>>, vector<1x1x16xf32>,
        %get3A_369 = vector.shape_cast %get3A_368 : vector<1x1x16xf32> to vector<16xf32>
        %add3A_370 = arith.addf %scan3A_310, %get3A_369 : vector<16xf32>
        %scan3A_371 = arith.constant 1 : i32
        %scan3A_372 = arith.addi %scan3A_302, %scan3A_371 : i32
        %mul3A_373 = arith.constant 1 : i32
        %mul3A_374 = arith.muli %scan3A_372, %mul3A_373 : i32
        %add3A_375 = arith.constant 0 : i32
        %add3A_376 = arith.addi %add3A_375, %mul3A_374 : i32
        %get3A_377 = arith.constant 2 : i32
        %get3A_378 = arith.index_cast %get3A_377 : i32 to index
        %get3A_379 = arith.index_cast %add3A_376 : i32 to index
        %get3A_380 = arith.constant 0 : index
        %get3A_381 = tpu.vector_load %arg8[%get3A_378, %get3A_379, %get3A_380] {strides = array<i32>} : memref<4x100x128xf32, #tpu.memory_space<vmem>>, vector<1x1x16xf32>,
        %get3A_382 = vector.shape_cast %get3A_381 : vector<1x1x16xf32> to vector<16xf32>
        %add3A_383 = arith.addf %add3A_321, %get3A_382 : vector<16xf32>
        %get3A_384 = arith.constant 2 : i32
        %get3A_385 = arith.index_cast %get3A_384 : i32 to index
        %get3A_386 = arith.index_cast %add3A_376 : i32 to index
        %get3A_387 = arith.constant 16 : index
        %get3A_388 = tpu.vector_load %arg8[%get3A_385, %get3A_386, %get3A_387] {strides = array<i32>} : memref<4x100x128xf32, #tpu.memory_space<vmem>>, vector<1x1x16xf32>,
        %get3A_389 = vector.shape_cast %get3A_388 : vector<1x1x16xf32> to vector<16xf32>
        %add3A_390 = arith.addf %add3A_328, %get3A_389 : vector<16xf32>
        %get3A_391 = arith.constant 2 : i32
        %get3A_392 = arith.index_cast %get3A_391 : i32 to index
        %get3A_393 = arith.index_cast %add3A_376 : i32 to index
        %get3A_394 = arith.constant 32 : index
        %get3A_395 = tpu.vector_load %arg8[%get3A_392, %get3A_393, %get3A_394] {strides = array<i32>} : memref<4x100x128xf32, #tpu.memory_space<vmem>>, vector<1x1x16xf32>,
        %get3A_396 = vector.shape_cast %get3A_395 : vector<1x1x16xf32> to vector<16xf32>
        %add3A_397 = arith.addf %add3A_335, %get3A_396 : vector<16xf32>
        %get3A_398 = arith.constant 2 : i32
        %get3A_399 = arith.index_cast %get3A_398 : i32 to index
        %get3A_400 = arith.index_cast %add3A_376 : i32 to index
        %get3A_401 = arith.constant 48 : index
        %get3A_402 = tpu.vector_load %arg8[%get3A_399, %get3A_400, %get3A_401] {strides = array<i32>} : memref<4x100x128xf32, #tpu.memory_space<vmem>>, vector<1x1x16xf32>,
        %get3A_403 = vector.shape_cast %get3A_402 : vector<1x1x16xf32> to vector<16xf32>
        %add3A_404 = arith.addf %add3A_342, %get3A_403 : vector<16xf32>
        %get3A_405 = arith.constant 2 : i32
        %get3A_406 = arith.index_cast %get3A_405 : i32 to index
        %get3A_407 = arith.index_cast %add3A_376 : i32 to index
        %get3A_408 = arith.constant 64 : index
        %get3A_409 = tpu.vector_load %arg8[%get3A_406, %get3A_407, %get3A_408] {strides = array<i32>} : memref<4x100x128xf32, #tpu.memory_space<vmem>>, vector<1x1x16xf32>,
        %get3A_410 = vector.shape_cast %get3A_409 : vector<1x1x16xf32> to vector<16xf32>
        %add3A_411 = arith.addf %add3A_349, %get3A_410 : vector<16xf32>
        %get3A_412 = arith.constant 2 : i32
        %get3A_413 = arith.index_cast %get3A_412 : i32 to index
        %get3A_414 = arith.index_cast %add3A_376 : i32 to index
        %get3A_415 = arith.constant 80 : index
        %get3A_416 = tpu.vector_load %arg8[%get3A_413, %get3A_414, %get3A_415] {strides = array<i32>} : memref<4x100x128xf32, #tpu.memory_space<vmem>>, vector<1x1x16xf32>,
        %get3A_417 = vector.shape_cast %get3A_416 : vector<1x1x16xf32> to vector<16xf32>
        %add3A_418 = arith.addf %add3A_356, %get3A_417 : vector<16xf32>
        %get3A_419 = arith.constant 2 : i32
        %get3A_420 = arith.index_cast %get3A_419 : i32 to index
        %get3A_421 = arith.index_cast %add3A_376 : i32 to index
        %get3A_422 = arith.constant 96 : index
        %get3A_423 = tpu.vector_load %arg8[%get3A_420, %get3A_421, %get3A_422] {strides = array<i32>} : memref<4x100x128xf32, #tpu.memory_space<vmem>>, vector<1x1x16xf32>,
        %get3A_424 = vector.shape_cast %get3A_423 : vector<1x1x16xf32> to vector<16xf32>
        %add3A_425 = arith.addf %add3A_363, %get3A_424 : vector<16xf32>
        %get3A_426 = arith.constant 2 : i32
        %get3A_427 = arith.index_cast %get3A_426 : i32 to index
        %get3A_428 = arith.index_cast %add3A_376 : i32 to index
        %get3A_429 = arith.constant 112 : index
        %get3A_430 = tpu.vector_load %arg8[%get3A_427, %get3A_428, %get3A_429] {strides = array<i32>} : memref<4x100x128xf32, #tpu.memory_space<vmem>>, vector<1x1x16xf32>,
        %get3A_431 = vector.shape_cast %get3A_430 : vector<1x1x16xf32> to vector<16xf32>
        %add3A_432 = arith.addf %add3A_370, %get3A_431 : vector<16xf32>
        scf.yield %add3A_383, %add3A_390, %add3A_397, %add3A_404, %add3A_411, %add3A_418, %add3A_425, %add3A_432 : vector<16xf32>, vector<16xf32>, vector<16xf32>, vector<16xf32>, vector<16xf32>, vector<16xf32>, vector<16xf32>, vector<16xf32>
      }
      %scan3A_214 = arith.constant 100 : i32
      %add3A_215 = arith.constant 3 : i32
      %add3A_216 = arith.addi %mul3A_77, %add3A_215 : i32
      %add3A_217 = arith.constant 4 : i32
      %add3A_218 = arith.addi %add3A_216, %add3A_217 : i32
      %sub3A_219 = arith.constant 1 : i32
      %sub3A_220 = arith.subi %add3A_218, %sub3A_219 : i32
      %lt3A_221 = arith.constant 256 : i32
      %lt3A_222 = arith.cmpi slt, %sub3A_220, %lt3A_221 : i32
      %convert_element_type3A_223 = arith.extui %lt3A_222 : i1 to i32
      %cond3A_224 = arith.constant 0 : i32
      %cond3A_225 = arith.cmpi ne, %convert_element_type3A_223, %cond3A_224 : i32
      scf.if %cond3A_225 {
        %add3A_302 = arith.constant 4 : i32
        %add3A_303 = arith.addi %add3A_216, %add3A_302 : i32
        %sub3A_304 = arith.constant 1 : i32
        %sub3A_305 = arith.subi %add3A_303, %sub3A_304 : i32
        %dma_start3A_306 = arith.constant 2 : i32
        %dma_start3A_307 = arith.constant 0 : i32
        %dma_start3A_308 = arith.constant 0 : i32
        %dma_start3A_309 = tpu.memref_slice %arg8[%dma_start3A_306, %dma_start3A_307, %dma_start3A_308] : memref<4x100x128xf32, #tpu.memory_space<vmem>> -> memref<1x100x128xf32, #tpu.memory_space<vmem>>
        %dma_start3A_310 = tpu.memref_squeeze %dma_start3A_309 : memref<1x100x128xf32, #tpu.memory_space<vmem>> -> memref<100x128xf32, #tpu.memory_space<vmem>>
        %dma_start3A_311 = arith.constant 0 : i32
        %dma_start3A_312 = tpu.memref_slice %arg6[%sub3A_305, %dma_start3A_311] : memref<256x100xi32, #tpu.memory_space<vmem>> -> memref<1x100xi32, #tpu.memory_space<vmem>>
        %dma_start3A_313 = tpu.memref_squeeze %dma_start3A_312 : memref<1x100xi32, #tpu.memory_space<vmem>> -> memref<100xi32, #tpu.memory_space<vmem>>
        %dma_start3A_314 = arith.constant 0 : i32
        %dma_start3A_315 = arith.constant 0 : i32
        %dma_start3A_316 = tpu.memref_slice %arg2[%dma_start3A_314, %dma_start3A_315] : memref<100001x128xf32, #tpu.memory_space<hbm>> -> memref<100001x128xf32, #tpu.memory_space<hbm>>
        tpu.enqueue_indirect_dma source(%dma_start3A_316 : memref<100001x128xf32, #tpu.memory_space<hbm>>) target(%dma_start3A_310 : memref<100x128xf32, #tpu.memory_space<vmem>>) offsets(%dma_start3A_313 : memref<100xi32, #tpu.memory_space<vmem>>) semaphore(%arg13 : memref<!tpu.dma_semaphore, #tpu.memory_space<semaphore_mem>>)
      } else {
      }
      %dma_wait3A_226 = arith.constant 3 : i32
      %dma_wait3A_227 = arith.constant 0 : i32
      %dma_wait3A_228 = arith.constant 0 : i32
      %dma_wait3A_229 = tpu.memref_slice %arg8[%dma_wait3A_226, %dma_wait3A_227, %dma_wait3A_228] : memref<4x100x128xf32, #tpu.memory_space<vmem>> -> memref<1x100x128xf32, #tpu.memory_space<vmem>>
      %dma_wait3A_230 = tpu.memref_squeeze %dma_wait3A_229 : memref<1x100x128xf32, #tpu.memory_space<vmem>> -> memref<100x128xf32, #tpu.memory_space<vmem>>
      %dma_wait3A_231 = arith.constant 0 : i32
      %dma_wait3A_232 = tpu.memref_slice %arg6[%add3A_216, %dma_wait3A_231] : memref<256x100xi32, #tpu.memory_space<vmem>> -> memref<1x100xi32, #tpu.memory_space<vmem>>
      %dma_wait3A_233 = tpu.memref_squeeze %dma_wait3A_232 : memref<1x100xi32, #tpu.memory_space<vmem>> -> memref<100xi32, #tpu.memory_space<vmem>>
      %dma_wait3A_234 = arith.constant 0 : i32
      %dma_wait3A_235 = arith.constant 0 : i32
      %dma_wait3A_236 = tpu.memref_slice %arg2[%dma_wait3A_234, %dma_wait3A_235] : memref<100001x128xf32, #tpu.memory_space<hbm>> -> memref<100001x128xf32, #tpu.memory_space<hbm>>
      tpu.wait_indirect_dma semaphore(%arg14 : memref<!tpu.dma_semaphore, #tpu.memory_space<semaphore_mem>>) src(%dma_wait3A_236 : memref<100001x128xf32, #tpu.memory_space<hbm>>) dst(%dma_wait3A_230 : memref<100x128xf32, #tpu.memory_space<vmem>>)
      %scan3A_237 = arith.constant 0 : i32
      %scan3A_238 = arith.constant 100 : i32
      %scan3A_239 = arith.addi %scan3A_237, %scan3A_238 : i32
      %scan3A_240 = arith.constant 2 : i32
      %scan3A_241:8 = scf.for %scan3A_302 = %scan3A_237 to %scan3A_239 step %scan3A_240 iter_args(%scan3A_303 = %scan3A_213#0, %scan3A_304 = %scan3A_213#1, %scan3A_305 = %scan3A_213#2, %scan3A_306 = %scan3A_213#3, %scan3A_307 = %scan3A_213#4, %scan3A_308 = %scan3A_213#5, %scan3A_309 = %scan3A_213#6, %scan3A_310 = %scan3A_213#7) -> (vector<16xf32>, vector<16xf32>, vector<16xf32>, vector<16xf32>, vector<16xf32>, vector<16xf32>, vector<16xf32>, vector<16xf32>)  : i32 {
        %mul3A_311 = arith.constant 1 : i32
        %mul3A_312 = arith.muli %scan3A_302, %mul3A_311 : i32
        %add3A_313 = arith.constant 0 : i32
        %add3A_314 = arith.addi %add3A_313, %mul3A_312 : i32
        %get3A_315 = arith.constant 3 : i32
        %get3A_316 = arith.index_cast %get3A_315 : i32 to index
        %get3A_317 = arith.index_cast %add3A_314 : i32 to index
        %get3A_318 = arith.constant 0 : index
        %get3A_319 = tpu.vector_load %arg8[%get3A_316, %get3A_317, %get3A_318] {strides = array<i32>} : memref<4x100x128xf32, #tpu.memory_space<vmem>>, vector<1x1x16xf32>,
        %get3A_320 = vector.shape_cast %get3A_319 : vector<1x1x16xf32> to vector<16xf32>
        %add3A_321 = arith.addf %scan3A_303, %get3A_320 : vector<16xf32>
        %get3A_322 = arith.constant 3 : i32
        %get3A_323 = arith.index_cast %get3A_322 : i32 to index
        %get3A_324 = arith.index_cast %add3A_314 : i32 to index
        %get3A_325 = arith.constant 16 : index
        %get3A_326 = tpu.vector_load %arg8[%get3A_323, %get3A_324, %get3A_325] {strides = array<i32>} : memref<4x100x128xf32, #tpu.memory_space<vmem>>, vector<1x1x16xf32>,
        %get3A_327 = vector.shape_cast %get3A_326 : vector<1x1x16xf32> to vector<16xf32>
        %add3A_328 = arith.addf %scan3A_304, %get3A_327 : vector<16xf32>
        %get3A_329 = arith.constant 3 : i32
        %get3A_330 = arith.index_cast %get3A_329 : i32 to index
        %get3A_331 = arith.index_cast %add3A_314 : i32 to index
        %get3A_332 = arith.constant 32 : index
        %get3A_333 = tpu.vector_load %arg8[%get3A_330, %get3A_331, %get3A_332] {strides = array<i32>} : memref<4x100x128xf32, #tpu.memory_space<vmem>>, vector<1x1x16xf32>,
        %get3A_334 = vector.shape_cast %get3A_333 : vector<1x1x16xf32> to vector<16xf32>
        %add3A_335 = arith.addf %scan3A_305, %get3A_334 : vector<16xf32>
        %get3A_336 = arith.constant 3 : i32
        %get3A_337 = arith.index_cast %get3A_336 : i32 to index
        %get3A_338 = arith.index_cast %add3A_314 : i32 to index
        %get3A_339 = arith.constant 48 : index
        %get3A_340 = tpu.vector_load %arg8[%get3A_337, %get3A_338, %get3A_339] {strides = array<i32>} : memref<4x100x128xf32, #tpu.memory_space<vmem>>, vector<1x1x16xf32>,
        %get3A_341 = vector.shape_cast %get3A_340 : vector<1x1x16xf32> to vector<16xf32>
        %add3A_342 = arith.addf %scan3A_306, %get3A_341 : vector<16xf32>
        %get3A_343 = arith.constant 3 : i32
        %get3A_344 = arith.index_cast %get3A_343 : i32 to index
        %get3A_345 = arith.index_cast %add3A_314 : i32 to index
        %get3A_346 = arith.constant 64 : index
        %get3A_347 = tpu.vector_load %arg8[%get3A_344, %get3A_345, %get3A_346] {strides = array<i32>} : memref<4x100x128xf32, #tpu.memory_space<vmem>>, vector<1x1x16xf32>,
        %get3A_348 = vector.shape_cast %get3A_347 : vector<1x1x16xf32> to vector<16xf32>
        %add3A_349 = arith.addf %scan3A_307, %get3A_348 : vector<16xf32>
        %get3A_350 = arith.constant 3 : i32
        %get3A_351 = arith.index_cast %get3A_350 : i32 to index
        %get3A_352 = arith.index_cast %add3A_314 : i32 to index
        %get3A_353 = arith.constant 80 : index
        %get3A_354 = tpu.vector_load %arg8[%get3A_351, %get3A_352, %get3A_353] {strides = array<i32>} : memref<4x100x128xf32, #tpu.memory_space<vmem>>, vector<1x1x16xf32>,
        %get3A_355 = vector.shape_cast %get3A_354 : vector<1x1x16xf32> to vector<16xf32>
        %add3A_356 = arith.addf %scan3A_308, %get3A_355 : vector<16xf32>
        %get3A_357 = arith.constant 3 : i32
        %get3A_358 = arith.index_cast %get3A_357 : i32 to index
        %get3A_359 = arith.index_cast %add3A_314 : i32 to index
        %get3A_360 = arith.constant 96 : index
        %get3A_361 = tpu.vector_load %arg8[%get3A_358, %get3A_359, %get3A_360] {strides = array<i32>} : memref<4x100x128xf32, #tpu.memory_space<vmem>>, vector<1x1x16xf32>,
        %get3A_362 = vector.shape_cast %get3A_361 : vector<1x1x16xf32> to vector<16xf32>
        %add3A_363 = arith.addf %scan3A_309, %get3A_362 : vector<16xf32>
        %get3A_364 = arith.constant 3 : i32
        %get3A_365 = arith.index_cast %get3A_364 : i32 to index
        %get3A_366 = arith.index_cast %add3A_314 : i32 to index
        %get3A_367 = arith.constant 112 : index
        %get3A_368 = tpu.vector_load %arg8[%get3A_365, %get3A_366, %get3A_367] {strides = array<i32>} : memref<4x100x128xf32, #tpu.memory_space<vmem>>, vector<1x1x16xf32>,
        %get3A_369 = vector.shape_cast %get3A_368 : vector<1x1x16xf32> to vector<16xf32>
        %add3A_370 = arith.addf %scan3A_310, %get3A_369 : vector<16xf32>
        %scan3A_371 = arith.constant 1 : i32
        %scan3A_372 = arith.addi %scan3A_302, %scan3A_371 : i32
        %mul3A_373 = arith.constant 1 : i32
        %mul3A_374 = arith.muli %scan3A_372, %mul3A_373 : i32
        %add3A_375 = arith.constant 0 : i32
        %add3A_376 = arith.addi %add3A_375, %mul3A_374 : i32
        %get3A_377 = arith.constant 3 : i32
        %get3A_378 = arith.index_cast %get3A_377 : i32 to index
        %get3A_379 = arith.index_cast %add3A_376 : i32 to index
        %get3A_380 = arith.constant 0 : index
        %get3A_381 = tpu.vector_load %arg8[%get3A_378, %get3A_379, %get3A_380] {strides = array<i32>} : memref<4x100x128xf32, #tpu.memory_space<vmem>>, vector<1x1x16xf32>,
        %get3A_382 = vector.shape_cast %get3A_381 : vector<1x1x16xf32> to vector<16xf32>
        %add3A_383 = arith.addf %add3A_321, %get3A_382 : vector<16xf32>
        %get3A_384 = arith.constant 3 : i32
        %get3A_385 = arith.index_cast %get3A_384 : i32 to index
        %get3A_386 = arith.index_cast %add3A_376 : i32 to index
        %get3A_387 = arith.constant 16 : index
        %get3A_388 = tpu.vector_load %arg8[%get3A_385, %get3A_386, %get3A_387] {strides = array<i32>} : memref<4x100x128xf32, #tpu.memory_space<vmem>>, vector<1x1x16xf32>,
        %get3A_389 = vector.shape_cast %get3A_388 : vector<1x1x16xf32> to vector<16xf32>
        %add3A_390 = arith.addf %add3A_328, %get3A_389 : vector<16xf32>
        %get3A_391 = arith.constant 3 : i32
        %get3A_392 = arith.index_cast %get3A_391 : i32 to index
        %get3A_393 = arith.index_cast %add3A_376 : i32 to index
        %get3A_394 = arith.constant 32 : index
        %get3A_395 = tpu.vector_load %arg8[%get3A_392, %get3A_393, %get3A_394] {strides = array<i32>} : memref<4x100x128xf32, #tpu.memory_space<vmem>>, vector<1x1x16xf32>,
        %get3A_396 = vector.shape_cast %get3A_395 : vector<1x1x16xf32> to vector<16xf32>
        %add3A_397 = arith.addf %add3A_335, %get3A_396 : vector<16xf32>
        %get3A_398 = arith.constant 3 : i32
        %get3A_399 = arith.index_cast %get3A_398 : i32 to index
        %get3A_400 = arith.index_cast %add3A_376 : i32 to index
        %get3A_401 = arith.constant 48 : index
        %get3A_402 = tpu.vector_load %arg8[%get3A_399, %get3A_400, %get3A_401] {strides = array<i32>} : memref<4x100x128xf32, #tpu.memory_space<vmem>>, vector<1x1x16xf32>,
        %get3A_403 = vector.shape_cast %get3A_402 : vector<1x1x16xf32> to vector<16xf32>
        %add3A_404 = arith.addf %add3A_342, %get3A_403 : vector<16xf32>
        %get3A_405 = arith.constant 3 : i32
        %get3A_406 = arith.index_cast %get3A_405 : i32 to index
        %get3A_407 = arith.index_cast %add3A_376 : i32 to index
        %get3A_408 = arith.constant 64 : index
        %get3A_409 = tpu.vector_load %arg8[%get3A_406, %get3A_407, %get3A_408] {strides = array<i32>} : memref<4x100x128xf32, #tpu.memory_space<vmem>>, vector<1x1x16xf32>,
        %get3A_410 = vector.shape_cast %get3A_409 : vector<1x1x16xf32> to vector<16xf32>
        %add3A_411 = arith.addf %add3A_349, %get3A_410 : vector<16xf32>
        %get3A_412 = arith.constant 3 : i32
        %get3A_413 = arith.index_cast %get3A_412 : i32 to index
        %get3A_414 = arith.index_cast %add3A_376 : i32 to index
        %get3A_415 = arith.constant 80 : index
        %get3A_416 = tpu.vector_load %arg8[%get3A_413, %get3A_414, %get3A_415] {strides = array<i32>} : memref<4x100x128xf32, #tpu.memory_space<vmem>>, vector<1x1x16xf32>,
        %get3A_417 = vector.shape_cast %get3A_416 : vector<1x1x16xf32> to vector<16xf32>
        %add3A_418 = arith.addf %add3A_356, %get3A_417 : vector<16xf32>
        %get3A_419 = arith.constant 3 : i32
        %get3A_420 = arith.index_cast %get3A_419 : i32 to index
        %get3A_421 = arith.index_cast %add3A_376 : i32 to index
        %get3A_422 = arith.constant 96 : index
        %get3A_423 = tpu.vector_load %arg8[%get3A_420, %get3A_421, %get3A_422] {strides = array<i32>} : memref<4x100x128xf32, #tpu.memory_space<vmem>>, vector<1x1x16xf32>,
        %get3A_424 = vector.shape_cast %get3A_423 : vector<1x1x16xf32> to vector<16xf32>
        %add3A_425 = arith.addf %add3A_363, %get3A_424 : vector<16xf32>
        %get3A_426 = arith.constant 3 : i32
        %get3A_427 = arith.index_cast %get3A_426 : i32 to index
        %get3A_428 = arith.index_cast %add3A_376 : i32 to index
        %get3A_429 = arith.constant 112 : index
        %get3A_430 = tpu.vector_load %arg8[%get3A_427, %get3A_428, %get3A_429] {strides = array<i32>} : memref<4x100x128xf32, #tpu.memory_space<vmem>>, vector<1x1x16xf32>,
        %get3A_431 = vector.shape_cast %get3A_430 : vector<1x1x16xf32> to vector<16xf32>
        %add3A_432 = arith.addf %add3A_370, %get3A_431 : vector<16xf32>
        scf.yield %add3A_383, %add3A_390, %add3A_397, %add3A_404, %add3A_411, %add3A_418, %add3A_425, %add3A_432 : vector<16xf32>, vector<16xf32>, vector<16xf32>, vector<16xf32>, vector<16xf32>, vector<16xf32>, vector<16xf32>, vector<16xf32>
      }
      %scan3A_242 = arith.constant 100 : i32
      %mul3A_243 = arith.constant 2 : i32
      %mul3A_244 = arith.muli %add3A_75, %mul3A_243 : i32
      %add3A_245 = arith.constant 1 : i32
      %add3A_246 = arith.addi %mul3A_244, %add3A_245 : i32
      %broadcast_in_dim3A_247 = arith.constant 0.000000e+00 : f32
      %broadcast_in_dim3A_248 = vector.broadcast %broadcast_in_dim3A_247 : f32 to vector<16xf32>
      %get3A_249 = arith.index_cast %add3A_246 : i32 to index
      %get3A_250 = arith.constant 0 : index
      %get3A_251 = tpu.vector_load %arg9[%get3A_249, %get3A_250] {strides = array<i32>} : memref<128x128xf32, #tpu.memory_space<vmem>>, vector<1x16xf32>,
      %get3A_252 = vector.shape_cast %get3A_251 : vector<1x16xf32> to vector<16xf32>
      %mul3A_253 = arith.mulf %scan3A_241#0, %get3A_252 : vector<16xf32>
      %add3A_254 = arith.addf %broadcast_in_dim3A_248, %mul3A_253 : vector<16xf32>
      %get3A_255 = arith.index_cast %add3A_246 : i32 to index
      %get3A_256 = arith.constant 16 : index
      %get3A_257 = tpu.vector_load %arg9[%get3A_255, %get3A_256] {strides = array<i32>} : memref<128x128xf32, #tpu.memory_space<vmem>>, vector<1x16xf32>,
      %get3A_258 = vector.shape_cast %get3A_257 : vector<1x16xf32> to vector<16xf32>
      %mul3A_259 = arith.mulf %scan3A_241#1, %get3A_258 : vector<16xf32>
      %add3A_260 = arith.addf %add3A_254, %mul3A_259 : vector<16xf32>
      %get3A_261 = arith.index_cast %add3A_246 : i32 to index
      %get3A_262 = arith.constant 32 : index
      %get3A_263 = tpu.vector_load %arg9[%get3A_261, %get3A_262] {strides = array<i32>} : memref<128x128xf32, #tpu.memory_space<vmem>>, vector<1x16xf32>,
      %get3A_264 = vector.shape_cast %get3A_263 : vector<1x16xf32> to vector<16xf32>
      %mul3A_265 = arith.mulf %scan3A_241#2, %get3A_264 : vector<16xf32>
      %add3A_266 = arith.addf %add3A_260, %mul3A_265 : vector<16xf32>
      %get3A_267 = arith.index_cast %add3A_246 : i32 to index
      %get3A_268 = arith.constant 48 : index
      %get3A_269 = tpu.vector_load %arg9[%get3A_267, %get3A_268] {strides = array<i32>} : memref<128x128xf32, #tpu.memory_space<vmem>>, vector<1x16xf32>,
      %get3A_270 = vector.shape_cast %get3A_269 : vector<1x16xf32> to vector<16xf32>
      %mul3A_271 = arith.mulf %scan3A_241#3, %get3A_270 : vector<16xf32>
      %add3A_272 = arith.addf %add3A_266, %mul3A_271 : vector<16xf32>
      %get3A_273 = arith.index_cast %add3A_246 : i32 to index
      %get3A_274 = arith.constant 64 : index
      %get3A_275 = tpu.vector_load %arg9[%get3A_273, %get3A_274] {strides = array<i32>} : memref<128x128xf32, #tpu.memory_space<vmem>>, vector<1x16xf32>,
      %get3A_276 = vector.shape_cast %get3A_275 : vector<1x16xf32> to vector<16xf32>
      %mul3A_277 = arith.mulf %scan3A_241#4, %get3A_276 : vector<16xf32>
      %add3A_278 = arith.addf %add3A_272, %mul3A_277 : vector<16xf32>
      %get3A_279 = arith.index_cast %add3A_246 : i32 to index
      %get3A_280 = arith.constant 80 : index
      %get3A_281 = tpu.vector_load %arg9[%get3A_279, %get3A_280] {strides = array<i32>} : memref<128x128xf32, #tpu.memory_space<vmem>>, vector<1x16xf32>,
      %get3A_282 = vector.shape_cast %get3A_281 : vector<1x16xf32> to vector<16xf32>
      %mul3A_283 = arith.mulf %scan3A_241#5, %get3A_282 : vector<16xf32>
      %add3A_284 = arith.addf %add3A_278, %mul3A_283 : vector<16xf32>
      %get3A_285 = arith.index_cast %add3A_246 : i32 to index
      %get3A_286 = arith.constant 96 : index
      %get3A_287 = tpu.vector_load %arg9[%get3A_285, %get3A_286] {strides = array<i32>} : memref<128x128xf32, #tpu.memory_space<vmem>>, vector<1x16xf32>,
      %get3A_288 = vector.shape_cast %get3A_287 : vector<1x16xf32> to vector<16xf32>
      %mul3A_289 = arith.mulf %scan3A_241#6, %get3A_288 : vector<16xf32>
      %add3A_290 = arith.addf %add3A_284, %mul3A_289 : vector<16xf32>
      %get3A_291 = arith.index_cast %add3A_246 : i32 to index
      %get3A_292 = arith.constant 112 : index
      %get3A_293 = tpu.vector_load %arg9[%get3A_291, %get3A_292] {strides = array<i32>} : memref<128x128xf32, #tpu.memory_space<vmem>>, vector<1x16xf32>,
      %get3A_294 = vector.shape_cast %get3A_293 : vector<1x16xf32> to vector<16xf32>
      %mul3A_295 = arith.mulf %scan3A_241#7, %get3A_294 : vector<16xf32>
      %add3A_296 = arith.addf %add3A_290, %mul3A_295 : vector<16xf32>
      %swap3A_297 = arith.index_cast %add3A_246 : i32 to index
      %swap3A_298 = arith.constant 0 : index
      %swap3A_299 = tpu.vector_load %arg10[%swap3A_297, %swap3A_298] {strides = array<i32>} : memref<128x16xf32, #tpu.memory_space<vmem>>, vector<1x16xf32>,
      %swap3A_300 = vector.shape_cast %swap3A_299 : vector<1x16xf32> to vector<16xf32>
      %swap3A_301 = vector.shape_cast %add3A_296 : vector<16xf32> to vector<1x16xf32>
      tpu.vector_store %arg10[%swap3A_297, %swap3A_298], %swap3A_301 {strides = array<i32>} : memref<128x16xf32, #tpu.memory_space<vmem>>, vector<1x16xf32>,
      scf.yield %broadcast_in_dim3A_43, %broadcast_in_dim3A_45, %broadcast_in_dim3A_47, %broadcast_in_dim3A_49, %broadcast_in_dim3A_51, %broadcast_in_dim3A_53, %broadcast_in_dim3A_55, %broadcast_in_dim3A_57 : vector<16xf32>, vector<16xf32>, vector<16xf32>, vector<16xf32>, vector<16xf32>, vector<16xf32>, vector<16xf32>, vector<16xf32>
    }
    %scan3A_62 = arith.constant 64 : i32
    "tpu.region"() ({
      %run_scoped3A = tpu.sem_alloc : memref<!tpu.dma_semaphore, #tpu.memory_space<semaphore_mem>>
      %dma_start3A_63 = arith.constant 0 : i32
      %dma_start3A_64 = tpu.memref_slice %arg5[%mul3A_2, %dma_start3A_63] : memref<4096x16xf32, #tpu.memory_space<hbm>> -> memref<128x16xf32, #tpu.memory_space<hbm>>
      %dma_start3A_65 = arith.constant 0 : i32
      %dma_start3A_66 = tpu.memref_slice %arg5[%mul3A_2, %dma_start3A_65] : memref<4096x16xf32, #tpu.memory_space<hbm>> -> memref<128x16xf32, #tpu.memory_space<hbm>>
      tpu.enqueue_dma source(%arg10 : memref<128x16xf32, #tpu.memory_space<vmem>>) target(%dma_start3A_66 : memref<128x16xf32, #tpu.memory_space<hbm>>) target_semaphore(%run_scoped3A : memref<!tpu.dma_semaphore, #tpu.memory_space<semaphore_mem>>)
      %dma_wait3A_67 = arith.constant 0 : i32
      %dma_wait3A_68 = tpu.memref_slice %arg5[%mul3A_2, %dma_wait3A_67] : memref<4096x16xf32, #tpu.memory_space<hbm>> -> memref<128x16xf32, #tpu.memory_space<hbm>>
      %dma_wait3A_69 = arith.constant 0 : i32
      %dma_wait3A_70 = tpu.memref_slice %arg5[%mul3A_2, %dma_wait3A_69] : memref<4096x16xf32, #tpu.memory_space<hbm>> -> memref<128x16xf32, #tpu.memory_space<hbm>>
      tpu.wait_dma2 semaphore(%run_scoped3A : memref<!tpu.dma_semaphore, #tpu.memory_space<semaphore_mem>>) src(%arg10 : memref<128x16xf32, #tpu.memory_space<vmem>>) dst(%dma_wait3A_70 : memref<128x16xf32, #tpu.memory_space<hbm>>)
      tpu.yield
    }) : () -> ()
    return
  }
}

module attributes {stable_mosaic.version = 14 : i64} {
  func.func @_tc_body(%arg0: memref<4096x16xf32, #tpu.memory_space<vmem>>, %arg1: memref<4096xi32, #tpu.memory_space<vmem>>, %arg2: memref<4096xf32, #tpu.memory_space<vmem>>, %arg3: memref<1x1xf32, #tpu.memory_space<vmem>>) attributes {dimension_semantics = [], scalar_prefetch = 0 : i64, scratch_operands = 0 : i64, tpu.core_type = #tpu.core_type<tc>} {
    %get3A = arith.constant 0 : index
    %get3A_0 = arith.constant 0 : index
    %get3A_1 = vector.load %arg0[%get3A, %get3A_0] : memref<4096x16xf32, #tpu.memory_space<vmem>>, vector<4096x16xf32>
    %reduce_sum3A = arith.constant dense<0.000000e+00> : vector<4096xf32>
    %reduce_sum3A_2 = vector.multi_reduction <add>, %get3A_1, %reduce_sum3A [1] : vector<4096x16xf32> to vector<4096xf32>
    %mul3A = arith.constant 5.000000e-03 : f32
    %mul3A_3 = vector.broadcast %mul3A : f32 to vector<4096xf32>
    %mul3A_4 = arith.mulf %reduce_sum3A_2, %mul3A_3 : vector<4096xf32>
    %logistic3A = arith.negf %mul3A_4 : vector<4096xf32>
    %logistic3A_5 = math.exp %logistic3A : vector<4096xf32>
    %logistic3A_6 = arith.constant 1.000000e+00 : f32
    %logistic3A_7 = vector.broadcast %logistic3A_6 : f32 to vector<4096xf32>
    %logistic3A_8 = arith.addf %logistic3A_7, %logistic3A_5 : vector<4096xf32>
    %logistic3A_9 = arith.divf %logistic3A_7, %logistic3A_8 : vector<4096xf32>
    %swap3A = arith.constant 0 : index
    %swap3A_10 = vector.load %arg2[%swap3A] : memref<4096xf32, #tpu.memory_space<vmem>>, vector<4096xf32>
    tpu.vector_store %arg2[%swap3A], %logistic3A_9 {strides = array<i32>} : memref<4096xf32, #tpu.memory_space<vmem>>, vector<4096xf32>,
    %get3A_11 = arith.constant 0 : index
    %get3A_12 = vector.load %arg1[%get3A_11] : memref<4096xi32, #tpu.memory_space<vmem>>, vector<4096xi32>
    %convert_element_type3A = arith.sitofp %get3A_12 : vector<4096xi32> to vector<4096xf32>
    %jit3A = arith.constant 9.99999996E-13 : f32
    %jit3A_13 = arith.constant 1.000000e+00 : f32
    %max3A = vector.broadcast %jit3A : f32 to vector<4096xf32>
    %max3A_14 = arith.maximumf %max3A, %logistic3A_9 : vector<4096xf32>
    %min3A = vector.broadcast %jit3A_13 : f32 to vector<4096xf32>
    %min3A_15 = arith.minimumf %min3A, %max3A_14 : vector<4096xf32>
    %log3A = math.log %min3A_15 : vector<4096xf32>
    %mul3A_16 = arith.mulf %convert_element_type3A, %log3A : vector<4096xf32>
    %sub3A = arith.constant 1.000000e+00 : f32
    %sub3A_17 = vector.broadcast %sub3A : f32 to vector<4096xf32>
    %sub3A_18 = arith.subf %sub3A_17, %convert_element_type3A : vector<4096xf32>
    %sub3A_19 = arith.constant 1.000000e+00 : f32
    %sub3A_20 = vector.broadcast %sub3A_19 : f32 to vector<4096xf32>
    %sub3A_21 = arith.subf %sub3A_20, %min3A_15 : vector<4096xf32>
    %log3A_22 = math.log %sub3A_21 : vector<4096xf32>
    %mul3A_23 = arith.mulf %sub3A_18, %log3A_22 : vector<4096xf32>
    %add3A = arith.addf %mul3A_16, %mul3A_23 : vector<4096xf32>
    %reduce_sum3A_24 = vector.shape_cast %add3A : vector<4096xf32> to vector<1x4096xf32>
    %reduce_sum3A_25 = arith.constant dense<0.000000e+00> : vector<1xf32>
    %reduce_sum3A_26 = vector.multi_reduction <add>, %reduce_sum3A_24, %reduce_sum3A_25 [1] : vector<1x4096xf32> to vector<1xf32>
    %reduce_sum3A_27 = vector.shape_cast %reduce_sum3A_26 : vector<1xf32> to vector<1x1xf32>
    %reduce_sum3A_28 = vector.extract %reduce_sum3A_27[0, 0] : f32 from vector<1x1xf32>
    %div3A = arith.constant 4.096000e+03 : f32
    %div3A_29 = arith.divf %reduce_sum3A_28, %div3A : f32
    %neg3A = arith.constant 0.000000e+00 : f32
    %neg3A_30 = arith.subf %neg3A, %div3A_29 : f32
    %reshape3A = vector.broadcast %neg3A_30 : f32 to vector<1x1xf32>
    %swap3A_31 = arith.constant 0 : index
    %swap3A_32 = arith.constant 0 : index
    %swap3A_33 = vector.load %arg3[%swap3A_31, %swap3A_32] : memref<1x1xf32, #tpu.memory_space<vmem>>, vector<1x1xf32>
    tpu.vector_store %arg3[%swap3A_31, %swap3A_32], %reshape3A {strides = array<i32>} : memref<1x1xf32, #tpu.memory_space<vmem>>, vector<1x1xf32>,
    return
  }
}

</mosaic_0001>

<sc_bundles>
// kernel: kernel.4.cloned.1.call-start
scs
__scs_entry_jumppad:
0x0: {  	(pc) =	sbr.rel $0x88, $3  }
0x1: {  	(tag) =	ssettag $0x0;
	lr =	simm.s32 $0x1  }
0x2: {  	[smem:$0x3F9D] =	sst lr;
	_ =	strace $0xD0000000  }
0x3: {  	_ = 	snop  }
0x4: {  	_ = 	snop  }
0x5: {  	_ = 	snop  }
0x6: {  	_ = 	snop  }
0x7: {  	_ = 	snop  }
__scs_overlays_trampoline_lowered:
0x8: {  	[smem:$0x3FAC] =	sst s0  }
0x9: {  	[smem:$0x3FAD] =	sst s1  }
0xa: {  	[smem:$0x3FAE] =	sst s2  }
0xb: {  	[smem:$0x3FAF] =	sst s3  }
0xc: {  	[smem:$0x3FB0] =	sst s4  }
0xd: {  	[smem:$0x3FB1] =	sst s5  }
0xe: {  	[smem:$0x3FB2] =	sst s6  }
0xf: {  	[smem:$0x3FB3] =	sst s7  }
0x10: {  	[smem:$0x3FB4] =	sst s8  }
0x11: {  	[smem:$0x3FB5] =	sst s9;
	s0 =	simm.s32 @!p0 $0x0  }
0x12: {  	s1 =	sld [smem:$0x3F9B];
	s0 =	simm.s32 @p0 $0x1  }
0x13: {  	[smem:$0x3FB6] =	sst s0;
	s0 =	simm.s32 @!p1 $0x0  }
0x14: {  	s2 =	sld [smem:$0x3F9A];
	s0 =	simm.s32 @p1 $0x1  }
0x15: {  	[smem:$0x3FB7] =	sst s0;
	s0 =	simm.s32 @!p2 $0x0  }
0x16: {  	s3 =	sld [smem:$0x3FDB];
	s0 =	simm.s32 @p2 $0x1  }
0x17: {  	s4 =	simm.s32 $0x1BF5;
	[smem:$0x3FB9] =	sst s0  }
0x18: {  	s0 =	sld [smem:$0x3F9C];
	_ =	swait.ge [sflag:s4], $0x0  }
0x19: {  	s7 =	sld [smem:$0x3F9D]  }
0x1a: {  	s8 =	sadd.s32 $0xFFFFE003, lr  }
0x1b: {  	s9 =	sadd.s32 $0xFFFFFEF7, lr;
	s5 =	simm.s32 $0xFFFFFFFF;
	p2 =	slt.u32 s8, $0xFFFFF086  }
0x1c: {  	p1 =	slt.u32 s9, $0xF7A;
	s5 =	simm.s32 @!p2 $0x0  }
0x1d: {  	s5 =	simm.s32 @p1 $0x1;
	p0 =	seq.s32 s7, s2  }
0x1e: {  	s7 =	smul.u32 @!p0 $0xF7A, s2;
	p2 =	seq.s32 @!p0 s5, $0x0  }
0x1f: {  	s9 =	smul.u32 $0xF7A, s1;
	s8 =	simm.s32 @!p0 $0x1BF5;
	p2 =	por !p2, p0  }
0x20: {  	[sflag:s8] =	ssyncset.s32 @!p0 $0xFFFFF086;
	s6 =	sadd.s32 @!p0 s3, s7;
	s7 =	simm.s32 @!p0 $0x108  }
0x21: {  	s3 =	sadd.s32 s3, s9;
	s6 =	sadd.s32 @!p0 $0x88, s6;
	s7 =	simm.s32 @p2 $0x1082  }
0x22: {  	[simem:s7], [sflag:s8] =	dma.local @!p0 [hbm:s6], $0xF7A  }
0x23: {  	s9 =	sor.u32 $0xD0000000, s2;
	s6 =	simm.s32 $0x108;
	_ =	swait.ge @!p0 [sflag:s8], $0x0  }
0x24: {  	s3 =	sadd.s32 $0x88, s3;
	s6 =	simm.s32 @!p1 $0x1082;
	[sflag:s4] =	ssyncset.s32 $0xFFFFF086  }
0x25: {  	[simem:s6], [sflag:s4] =	dma.local [hbm:s3], $0xF7A  }
0x26: {  	[smem:$0x3F9D] =	sst s1;
	(tag) =	ssettag s2;
	_ =	strace s9  }
0x27: {  	s1 =	sld [smem:$0x3FAD]  }
0x28: {  	s2 =	sld [smem:$0x3FAE]  }
0x29: {  	s4 =	sld [smem:$0x3FB0]  }
0x2a: {  	p0 =	seq.s32 s5, $0x0;
	s5 =	sld [smem:$0x3FB1]  }
0x2b: {  	s6 =	sld [smem:$0x3FB2]  }
0x2c: {  	s7 =	sld [smem:$0x3FB3]  }
0x2d: {  	s3 =	simm.s32 $0x108;
	s8 =	sld [smem:$0x3FB4]  }
0x2e: {  	s3 =	simm.s32 @!p0 $0x1082;
	s9 =	sld [smem:$0x3FB5]  }
0x2f: {  	lr =	sadd.s32 s0, s3;
	s0 =	sld [smem:$0x3FAC]  }
0x30: {  	s3 =	sld [smem:$0x3FAF]  }
0x31: {  	[smem:$0x3FB8] =	sst s10  }
0x32: {  	s10 =	sld [smem:$0x3FB6];
	_ =	sdelay $0x3  }
0x33: {  	p0 =	seq.s32 s10, $0x1;
	s10 =	sld [smem:$0x3FB8];
	_ =	sdelay $0x3  }
0x34: {  	[smem:$0x3FB8] =	sst s10  }
0x35: {  	s10 =	sld [smem:$0x3FB7];
	_ =	sdelay $0x3  }
0x36: {  	p1 =	seq.s32 s10, $0x1;
	s10 =	sld [smem:$0x3FB8];
	_ =	sdelay $0x3  }
0x37: {  	[smem:$0x3FB8] =	sst s10  }
0x38: {  	s10 =	sld [smem:$0x3FB9]  }
0x39: {  	_ = 	snop;
	(pc) =	sbr.ind lr, $3  }
0x3a: {  	_ = 	snop  }
0x3b: {  	_ = 	snop  }
0x3c: {  	p2 =	seq.s32 s10, $0x1;
	s10 =	sld [smem:$0x3FB8]  }
0x3d: {  	_ =	shalt  }
0x3e: {  	_ =	shalt  }
0x3f: {  	_ =	shalt  }
0x40: {  	_ =	shalt  }
0x41: {  	_ =	shalt  }
0x42: {  	_ =	shalt  }
0x43: {  	_ =	shalt  }
0x44: {  	_ =	shalt  }
0x45: {  	_ =	shalt  }
0x46: {  	_ =	shalt  }
0x47: {  	_ =	shalt  }
0x48: {  	_ =	shalt  }
0x49: {  	_ =	shalt  }
0x4a: {  	_ =	shalt  }
0x4b: {  	_ =	shalt  }
0x4c: {  	_ =	shalt  }
0x4d: {  	_ =	shalt  }
0x4e: {  	_ =	shalt  }
0x4f: {  	_ =	shalt  }
0x50: {  	_ =	shalt  }
0x51: {  	_ =	shalt  }
0x52: {  	_ =	shalt  }
0x53: {  	_ =	shalt  }
0x54: {  	_ =	shalt  }
0x55: {  	_ =	shalt  }
0x56: {  	_ =	shalt  }
0x57: {  	_ =	shalt  }
0x58: {  	_ =	shalt  }
0x59: {  	_ =	shalt  }
0x5a: {  	_ =	shalt  }
0x5b: {  	_ =	shalt  }
0x5c: {  	_ =	shalt  }
0x5d: {  	_ =	shalt  }
0x5e: {  	_ =	shalt  }
0x5f: {  	_ =	shalt  }
0x60: {  	_ =	shalt  }
0x61: {  	_ =	shalt  }
0x62: {  	_ =	shalt  }
0x63: {  	_ =	shalt  }
0x64: {  	_ =	shalt  }
0x65: {  	_ =	shalt  }
0x66: {  	_ =	shalt  }
0x67: {  	_ =	shalt  }
0x68: {  	_ =	shalt  }
0x69: {  	_ =	shalt  }
0x6a: {  	_ =	shalt  }
0x6b: {  	_ =	shalt  }
0x6c: {  	_ =	shalt  }
0x6d: {  	_ =	shalt  }
0x6e: {  	_ =	shalt  }
0x6f: {  	_ =	shalt  }
0x70: {  	_ =	shalt  }
0x71: {  	_ =	shalt  }
0x72: {  	_ =	shalt  }
0x73: {  	_ =	shalt  }
0x74: {  	_ =	shalt  }
0x75: {  	_ =	shalt  }
0x76: {  	_ =	shalt  }
0x77: {  	_ =	shalt  }
0x78: {  	_ =	shalt  }
0x79: {  	_ =	shalt  }
0x7a: {  	_ =	shalt  }
0x7b: {  	_ =	shalt  }
0x7c: {  	_ =	shalt  }
0x7d: {  	_ =	shalt  }
0x7e: {  	_ =	shalt  }
0x7f: {  	_ =	shalt  }
0x80: {  	_ =	shalt  }
0x81: {  	_ =	shalt  }
0x82: {  	_ =	shalt  }
0x83: {  	_ =	shalt  }
0x84: {  	_ =	shalt  }
0x85: {  	_ =	shalt  }
0x86: {  	_ =	shalt  }
0x87: {  	_ =	shalt  }
.Lfunc_end0:
.L_simem_size_0:
called_computation_lowered:
.L_overlay_start_0:
0x88: {  	s2 =	sld [smem:$0x3FD9]  }
0x89: {  	s3 =	sld [smem:$0x3FFE];
	_ =	sdelay $0x1  }
0x8a: {  	s1 =	srdreg.scid  }
0x8b: {  	s0 =	sand.u32 $0x1, s1  }
0x8c: {  	s17 =	sshll.u32 s0, $0xA;
	s2 =	sadd.s32 s3, s2  }
0x8d: {  	s2 =	sadd.s32 s2, s17  }
0x8e: {  	[smem:$0x3FC4] =	sst s2  }
0x8f: {  	_ = 	snop  }
0x90: {  	s2 =	sld [smem:$0x3FC9]  }
0x91: {  	s18 =	sld [smem:$0x3FC8];
	(tm) =	ssettm $0x1  }
0x92: {  	s4 =	sld [smem:$0x3FFB];
	_ =	sdelay $0x3  }
0x93: {  	_ =	strace s4  }
0x94: {  	s4 =	sld [smem:$0x3FFC];
	_ =	sdelay $0x3  }
0x95: {  	_ =	strace s4  }
0x96: {  	s4 =	sld [smem:$0x3FFD];
	_ =	sdelay $0x3  }
0x97: {  	_ =	strace s4  }
0x98: {  	_ =	strace $0x8FFFFFFF  }
0x99: {  	s19 =	sld [smem:$0x3FDB];
	_ =	sdelay $0x1  }
0x9a: {  	s5 =	simm.s32 $_scs_section_size  }
0x9b: {  	s6 =	simm.s32 $_size__tile_overlayer_lowered;
	s7 =	simm.s32 $_tile_overlayer_lowered  }
0x9c: {  	s22 =	simm.s32 $0x1BFF;
	s21 =	sshll.u32 s7, $0x1;
	s4 =	sadd.s32 s5, s19  }
0x9d: {  	s8 =	simm.s32 $0x0;
	s20 =	sshll.u32 s6, $0x1;
	s6 =	sadd.s32 s21, s4  }
0x9e: {  	[timem:s8], [sflag:s22] =	dma.local [hbm:s6], s20  }
0x9f: {  	_ =	swait.ge [sflag:s22], s20  }
0xa0: {  	s5 =	ssub.s32 $0x0, s20;
	[sflag:s22] =	ssyncset.done $0x0  }
0xa1: {  	[sflag:s22] =	ssyncadd.s32 s5;
	_ =	sdelay $0x1  }
0xa2: {  	s23 =	simm.s32 $0x1B8B  }
0xa3: {  	_ =	swait.ge [sflag:s23], $0x1  }
0xa4: {  	[sflag:s23] =	ssyncset.done $0x0  }
0xa5: {  	s25 =	simm.s32 $0x1B8E;
	s24 =	sld [smem:$0x3FFE];
	[sflag:s23] =	ssyncadd.s32 $0xFFFFFFFF  }
0xa6: {  	s26 =	simm.s32 $execute0_lowered;
	[smem:$0x3FD2] =	sst s25  }
0xa7: {  	s6 =	sshll.u32 s26, $0x1;
	_ =	strace $0x80000046;
	[dreg:$0x1] =	wrdreg $0xFFFFFFFF  }
0xa8: {  	s28 =	simm.s32 $_size_execute0_lowered;
	s4 =	sadd.s32 s4, s6;
	[dreg:$0x0] =	wrdreg $0x0  }
0xa9: {  	s6 =	sshll.u32 s28, $0x1;
	[dreg:$0x2] =	wrdreg s4  }
0xaa: {  	[dreg:$0x3] =	wrdreg s6  }
0xab: {  	[dreg:$0x4] =	wrdreg $0xC0  }
0xac: {  	_ =	task [dreg:s8], $0x5FFFF  }
0xad: {  	[dreg:$0x1] =	wrdreg $0xFFFFFFFF  }
0xae: {  	[dreg:$0x0] =	wrdreg $0x60  }
0xaf: {  	[dreg:$0x2] =	wrdreg s2  }
0xb0: {  	[dreg:$0x3] =	wrdreg s24  }
0xb1: {  	[dreg:$0x4] =	wrdreg s18  }
0xb2: {  	[dreg:$0x5] =	wrdreg $0x9  }
0xb3: {  	_ =	task.clear_ibuf [dreg:s8], $0x6FFFF;
	_ =	strace $0x90000046  }
0xb4: {  	s29 =	simm.s32 $0x9;
	_ =	strace $0x80000048  }
0xb5: {  	_ =	swait.ge [sflag:s29], $0x1  }
0xb6: {  	[sflag:s29] =	ssyncadd.s32 $0xFFFFFFFF  }
0xb7: {  	_ =	strace $0x90000048  }
0xb8: {  	_ =	sfence  }
0xb9: {  	s30 =	sld [smem:$0x0];
	_ =	sdelay $0x2  }
0xba: {  	s31 =	sshll.u32 s1, $0xD;
	s1 =	sshrl.u32 s1, $0x2  }
0xbb: {  	s3 =	sand.u32 $0x4000, s31;
	s1 =	sadd.s32 s1, s30  }
0xbc: {  	s0 =	sor.u32 s3, s0;
	s1 =	sshll.u32 s1, $0x11  }
0xbd: {  	s0 =	sor.u32 s1, s0  }
0xbe: {  	s0 =	sadd.s32 $0x8F2B, s0  }
0xbf: {  	[sflag:s0] =	ssyncadd.remote.s32 $0x1  }
0xc0: {  	_ =	sfence.sel $0xFFFF  }
0xc1: {  	[dreg:$0x0] =	wrdreg $0xFFFFFFFF;
	(pc) =	sbr.abs _section_cstart, $3  }
0xc2: {  	[dreg:$0x1] =	wrdreg $0xFFFFFFFF  }
0xc3: {  	_ =	task.clear_ibuf [dreg:s8], $0x2FFFF;
	_ =	strace $0x9FFFFFFF  }
0xc4: {  	(tm) =	ssettm $0x7FFFFFFF  }
0xc5: {  	_ =	shalt  }
tec
execute0_lowered:
.L_overlay_start_1:
0x0: {  	(tag) =	ssettag $0x1  }
0x1: {  	s1 =	rddreg [dreg:$0x0]  }
0x2: {  	s4 =	rddreg [dreg:$0x1]  }
0x3: {  	s5 =	rddreg [dreg:$0x2]  }
0x4: {  	s0 =	rddreg [dreg:$0x3];
	s6 =	srdreg.scid  }
0x5: {  	s2 =	stileid.u32;
	s3 =	simm.s32 $0x0;
	s11 =	simm.s32 $0x15080  }
0x6: {  	s12 =	simm.s32 $0x64;
	s13 =	simm.s32 $0x8080;
	s14 =	simm.s32 $0xB480  }
0x7: {  	s15 =	simm.s32 $0x100;
	s16 =	simm.s32 $0xE880;
	s17 =	simm.s32 $0x5  }
0x8: {  	s18 =	simm.s32 $0x11C80;
	s19 =	simm.s32 $0x1;
	s20 =	simm.s32 $0x2  }
0x9: {  	s21 =	simm.s32 $0x3;
	s22 =	simm.s32 $0x4;
	s23 =	simm.s32 $0x19080  }
0xa: {  	s6 =	sand.u32 $0x1, s6;
	s7 =	sshll.u32 s2, $0x1;
	[smem:$0x7FF] =	sst s3  }
0xb: {  	s24 =	simm.s32 $0x0;
	s7 =	sor.u32 s6, s7;
	_ =	strace $0x80000047  }
0xc: {  	s6 =	ssub.s32 $0x2, s6;
	s8 =	sshll.u32 s7, $0xC;
	s9 =	sshll.u32 s7, $0xB  }
0xd: {  	s10 =	sshrl.u32 s6, $0x1;
	s31 =	sshll.u32 s7, $0x4;
	s8 =	sadd.s32 s8, s4  }
0xe: {  	s9 =	sadd.s32 s9, s4;
	s10 =	ssub.s32 s6, s10;
	s5 =	sadd.s32 s5, s31  }
0xf: {  	s4 =	sadd.s32 $0xE00, s8;
	s6 =	sadd.s32 $0x20E00, s9;
	s7 =	smax.u32 s10, $0x1  }
0x10: {  	s8 =	simm.s32 $0x6;
	s9 =	simm.s32 $0x8000;
	s10 =	simm.s32 $0x80  }
.LBB2_1:
0x11: {  	[tilespmem:s3], [sflag:$0x6] =	stream.linear.gather [hbm4b:s4+s3], $0x8000, $0x38;
	[tilespmem:$0x1D080] =	vst v63  }
0x12: {  	_ =	swait.ge [sflag:s8], $0x8000  }
0x13: {  	[sflag:s8] =	ssyncset.done $0x0  }
0x14: {  	[sflag:s8] =	ssyncadd.s32 $0xFFFF8000  }
0x15: {  	[tilespmem:s9], [sflag:$0x6] =	stream.linear.gather [hbm4b:s5+s3], $0x80, $0x38;
	[tilespmem:$0x1D080] =	vst v63  }
0x16: {  	_ =	swait.ge [sflag:s8], $0x80  }
0x17: {  	[sflag:s8] =	ssyncset.done $0x0  }
0x18: {  	[sflag:s8] =	ssyncadd.s32 $0xFFFFFF80  }
0x19: {  	[tilespmem:s11], [sflag:$0x5] =	stream.indirect.gather [hbm4b:s1+s10], $0x80, s9, s10, $0xb8;
	[tilespmem:$0x1D080] =	vst v63  }
0x1a: {  	_ = 	snop  }
0x1b: {  	[tilespmem:s13], [sflag:$0x1] =	stream.indirect.gather [hbm4b:s1+s12], $0x80, s3, s12, $0xb8;
	[tilespmem:$0x1D080] =	vst v63  }
0x1c: {  	_ = 	snop  }
0x1d: {  	[tilespmem:s14], [sflag:$0x2] =	stream.indirect.gather [hbm4b:s1+s12], $0x80, s10, s12, $0xb8;
	[tilespmem:$0x1D080] =	vst v63  }
0x1e: {  	_ = 	snop  }
0x1f: {  	[tilespmem:s16], [sflag:$0x3] =	stream.indirect.gather [hbm4b:s1+s12], $0x80, s15, s12, $0xb8;
	[tilespmem:$0x1D080] =	vst v63  }
0x20: {  	_ =	swait.ge [sflag:s17], $0x4000  }
0x21: {  	[sflag:s17] =	ssyncset.done $0x0  }
0x22: {  	s25 =	simm.s32 $0x0;
	[sflag:s17] =	ssyncadd.s32 $0xFFFFC000  }
.LBB2_2:
0x23: {  	s26 =	sshll.u32 s25, $0x9  }
0x24: {  	s26 =	sand.u32 $0x3FFFFE00, s26  }
0x25: {  	s28 =	sor.u32 $0x180, s26  }
0x26: {  	[tilespmem:s18], [sflag:$0x4] =	stream.indirect.gather [hbm4b:s1+s12], $0x80, s28, s12, $0xb8;
	[tilespmem:$0x1D080] =	vst v63  }
0x27: {  	_ =	swait.ge [sflag:s19], $0x3200  }
0x28: {  	[sflag:s19] =	ssyncset.done $0x0  }
0x29: {  	s29 =	simm.s32 $0x8100;
	[sflag:s19] =	ssyncadd.s32 $0xFFFFCE00  }
0x2a: {  	v1 =	vld [tilespmem:s29+$0x0]  }
0x2b: {  	v2 =	vld [tilespmem:s29+$0x10]  }
0x2c: {  	v4 =	vld [tilespmem:s29+$0x20]  }
0x2d: {  	v5 =	vld [tilespmem:s29+$0x30]  }
0x2e: {  	v0 =	vld [tilespmem:s29+$0x40]  }
0x2f: {  	v6 =	vld [tilespmem:s29+$0xFFFFFF80]  }
0x30: {  	v7 =	vld [tilespmem:s29+$0xFFFFFF90]  }
0x31: {  	v8 =	vld [tilespmem:s29+$0xFFFFFFA0]  }
0x32: {  	v9 =	vld [tilespmem:s29+$0xFFFFFFB0]  }
0x33: {  	v3 =	vld [tilespmem:s29+$0x50]  }
0x34: {  	v14 =	vld [tilespmem:s29+$0xFFFFFFC0]  }
0x35: {  	v17 =	vld [tilespmem:s29+$0xFFFFFFD0]  }
0x36: {  	v10 =	vimm.f32 $0.0e+00;
	v15 =	vld [tilespmem:s29+$0xFFFFFFE0]  }
0x37: {  	v13 =	vimm.f32 $0.0e+00;
	v18 =	vld [tilespmem:s29+$0xFFFFFFF0];
	v6 =	vadd.f32 v6, v10;
	v11 =	vadd.f32 v7, v10  }
0x38: {  	v12 =	vimm.f32 $0.0e+00;
	v16 =	vld [tilespmem:s29+$0x60];
	v20 =	vadd.f32 v8, v10;
	v21 =	vadd.f32 v9, v10  }
0x39: {  	s28 =	simm.s32 $0x0;
	v19 =	vld [tilespmem:s29+$0x70];
	s29 =	simm.s32 $0x8200;
	v7 =	vadd.f32 v1, v6;
	v8 =	vadd.f32 v2, v11;
	v11 =	vimm.f32 $0.0e+00  }
.LBB2_3:
0x3a: {  	v1 =	vld [tilespmem:s29+$0x0];
	v2 =	vadd.f32 v4, v20;
	v6 =	vadd.f32 v5, v21  }
0x3b: {  	v10 =	vadd.f32 v14, v10;
	v13 =	vadd.f32 v17, v13;
	v9 =	vld [tilespmem:s29+$0x10]  }
0x3c: {  	v11 =	vadd.f32 v15, v11;
	v4 =	vld [tilespmem:s29+$0x20];
	v12 =	vadd.f32 v18, v12  }
0x3d: {  	v10 =	vadd.f32 v0, v10;
	v13 =	vadd.f32 v3, v13;
	v5 =	vld [tilespmem:s29+$0x30]  }
0x3e: {  	v11 =	vadd.f32 v16, v11;
	v0 =	vld [tilespmem:s29+$0x40];
	v12 =	vadd.f32 v19, v12  }
0x3f: {  	v3 =	vld [tilespmem:s29+$0x50]  }
0x40: {  	v16 =	vld [tilespmem:s29+$0xFFFFFF80]  }
0x41: {  	v18 =	vld [tilespmem:s29+$0xFFFFFF90]  }
0x42: {  	v19 =	vld [tilespmem:s29+$0xFFFFFFA0]  }
0x43: {  	s28 =	sadd.s32 $0x2, s28;
	v21 =	vld [tilespmem:s29+$0xFFFFFFB0]  }
0x44: {  	p0 =	slt.u32 s28, $0x62;
	v14 =	vld [tilespmem:s29+$0xFFFFFFC0]  }
.Ltmp0:
0x45: {  	v17 =	vld [tilespmem:s29+$0xFFFFFFD0];
	(pc) =	sbr.rel @p0 .LBB2_3-.Ltmp0, $4  }
0x46: {  	v15 =	vld [tilespmem:s29+$0xFFFFFFE0]  }
0x47: {  	v7 =	vadd.f32 v16, v7;
	v8 =	vadd.f32 v18, v8;
	v18 =	vld [tilespmem:s29+$0xFFFFFFF0]  }
0x48: {  	v20 =	vadd.f32 v19, v2;
	v21 =	vadd.f32 v21, v6;
	v16 =	vld [tilespmem:s29+$0x60]  }
0x49: {  	v7 =	vadd.f32 v1, v7;
	v8 =	vadd.f32 v9, v8;
	v19 =	vld [tilespmem:s29+$0x70];
	s29 =	sadd.s32 $0x100, s29  }
0x4a: {  	p0 =	seq.s32 s25, $0x3F  }
0x4b: {  	s28 =	sadd.s32 @!p0 $0x200, s26;
	s29 =	simm.s32 @!p0 $0x64;
	s30 =	simm.s32 @!p0 $0x8080  }
0x4c: {  	[tilespmem:s30], [sflag:$0x1] =	stream.indirect.gather @!p0 [hbm4b:s1+s29], $0x80, s28, s29, $0xb8;
	[tilespmem:$0x1D080] =	vst v63  }
0x4d: {  	_ =	swait.ge [sflag:s20], $0x3200  }
0x4e: {  	[sflag:s20] =	ssyncset.done $0x0  }
0x4f: {  	s29 =	simm.s32 $0xB570;
	[sflag:s20] =	ssyncadd.s32 $0xFFFFCE00  }
0x50: {  	v22 =	vld [tilespmem:s29+$0xFFFFFF90]  }
0x51: {  	v23 =	vld [tilespmem:s29+$0xFFFFFFA0]  }
0x52: {  	v6 =	vld [tilespmem:s29+$0xFFFFFFB0]  }
0x53: {  	v9 =	vld [tilespmem:s29+$0xFFFFFFC0]  }
0x54: {  	v2 =	vld [tilespmem:s29+$0xFFFFFFD0]  }
0x55: {  	v1 =	vld [tilespmem:s29+$0xFFFFFFE0]  }
0x56: {  	v24 =	vld [tilespmem:s29+$0xFFFFFF10]  }
0x57: {  	v25 =	vld [tilespmem:s29+$0xFFFFFF20]  }
0x58: {  	v20 =	vadd.f32 v4, v20;
	v21 =	vadd.f32 v5, v21;
	v26 =	vld [tilespmem:s29+$0xFFFFFF30]  }
0x59: {  	v4 =	vadd.f32 v14, v10;
	v10 =	vadd.f32 v17, v13;
	v13 =	vld [tilespmem:s29+$0xFFFFFF40]  }
0x5a: {  	v14 =	vadd.f32 v15, v11;
	v15 =	vadd.f32 v18, v12;
	v11 =	vld [tilespmem:s29+$0xFFFFFF50]  }
0x5b: {  	v5 =	vadd.f32 v0, v4;
	v4 =	vadd.f32 v3, v10;
	v12 =	vld [tilespmem:s29+$0xFFFFFF60]  }
0x5c: {  	v3 =	vadd.f32 v16, v14;
	v0 =	vadd.f32 v19, v15;
	v10 =	vld [tilespmem:s29+$0xFFFFFF70]  }
0x5d: {  	v14 =	vadd.f32 v24, v7;
	v18 =	vadd.f32 v25, v8;
	v8 =	vld [tilespmem:s29+$0xFFFFFF80]  }
0x5e: {  	v17 =	vadd.f32 v26, v20;
	v16 =	vadd.f32 v13, v21;
	v7 =	vld [tilespmem:s29+$0xFFFFFFF0]  }
0x5f: {  	s28 =	simm.s32 $0x0;
	v13 =	vld [tilespmem:s29+$0x0];
	s29 =	simm.s32 $0xB670;
	v15 =	vadd.f32 v22, v14;
	v14 =	vadd.f32 v23, v18  }
.LBB2_5:
0x60: {  	v18 =	vld [tilespmem:s29+$0xFFFFFF90];
	v17 =	vadd.f32 v6, v17;
	v16 =	vadd.f32 v9, v16  }
0x61: {  	v5 =	vadd.f32 v11, v5;
	v4 =	vadd.f32 v12, v4;
	v19 =	vld [tilespmem:s29+$0xFFFFFFA0]  }
0x62: {  	v3 =	vadd.f32 v10, v3;
	v6 =	vld [tilespmem:s29+$0xFFFFFFB0];
	v0 =	vadd.f32 v8, v0  }
0x63: {  	v5 =	vadd.f32 v2, v5;
	v4 =	vadd.f32 v1, v4;
	v9 =	vld [tilespmem:s29+$0xFFFFFFC0]  }
0x64: {  	v3 =	vadd.f32 v7, v3;
	v2 =	vld [tilespmem:s29+$0xFFFFFFD0];
	v0 =	vadd.f32 v13, v0  }
0x65: {  	v1 =	vld [tilespmem:s29+$0xFFFFFFE0]  }
0x66: {  	v7 =	vld [tilespmem:s29+$0xFFFFFF10]  }
0x67: {  	v8 =	vld [tilespmem:s29+$0xFFFFFF20]  }
0x68: {  	v13 =	vld [tilespmem:s29+$0xFFFFFF30]  }
0x69: {  	s28 =	sadd.s32 $0x2, s28;
	v20 =	vld [tilespmem:s29+$0xFFFFFF40]  }
0x6a: {  	p1 =	slt.u32 s28, $0x62;
	v11 =	vld [tilespmem:s29+$0xFFFFFF50]  }
.Ltmp1:
0x6b: {  	v12 =	vld [tilespmem:s29+$0xFFFFFF60];
	(pc) =	sbr.rel @p1 .LBB2_5-.Ltmp1, $4  }
0x6c: {  	v10 =	vld [tilespmem:s29+$0xFFFFFF70]  }
0x6d: {  	v15 =	vadd.f32 v7, v15;
	v14 =	vadd.f32 v8, v14;
	v8 =	vld [tilespmem:s29+$0xFFFFFF80]  }
0x6e: {  	v17 =	vadd.f32 v13, v17;
	v16 =	vadd.f32 v20, v16;
	v7 =	vld [tilespmem:s29+$0xFFFFFFF0]  }
0x6f: {  	v15 =	vadd.f32 v18, v15;
	v14 =	vadd.f32 v19, v14;
	v13 =	vld [tilespmem:s29+$0x0];
	s29 =	sadd.s32 $0x100, s29  }
0x70: {  	s28 =	sshll.u32 s25, $0x8  }
0x71: {  	v18 =	vld [tilespmem:s28+$0x15080];
	_ =	sdelay $0x1  }
0x72: {  	v19 =	vld [tilespmem:s28+$0x15090];
	_ =	sdelay $0x1  }
0x73: {  	v20 =	vld [tilespmem:s28+$0x150A0]  }
0x74: {  	v15 =	vmul.f32 v18, v15  }
0x75: {  	v18 =	vld [tilespmem:s28+$0x150B0]  }
0x76: {  	v6 =	vadd.f32 v6, v17;
	v14 =	vmul.f32 v19, v14;
	v15 =	vadd.f32 $0.0e+00, v15  }
0x77: {  	v9 =	vadd.f32 v9, v16;
	v16 =	vld [tilespmem:s28+$0x150C0]  }
0x78: {  	v5 =	vadd.f32 v11, v5;
	v6 =	vmul.f32 v20, v6;
	v11 =	vadd.f32 v14, v15  }
0x79: {  	v4 =	vadd.f32 v12, v4;
	v12 =	vld [tilespmem:s28+$0x150D0]  }
0x7a: {  	v2 =	vadd.f32 v2, v5;
	v5 =	vadd.f32 v6, v11;
	v6 =	vmul.f32 v18, v9  }
0x7b: {  	v3 =	vadd.f32 v10, v3;
	v9 =	vld [tilespmem:s28+$0x150E0]  }
0x7c: {  	v1 =	vadd.f32 v1, v4;
	v2 =	vmul.f32 v16, v2;
	v4 =	vadd.f32 v6, v5  }
0x7d: {  	v0 =	vadd.f32 v8, v0;
	v5 =	vld [tilespmem:s28+$0x150F0]  }
0x7e: {  	v3 =	vadd.f32 v7, v3;
	v1 =	vmul.f32 v12, v1;
	v2 =	vadd.f32 v2, v4;
	_ =	sdelay $0x1  }
0x7f: {  	v0 =	vadd.f32 v13, v0;
	v1 =	vadd.f32 v1, v2;
	v2 =	vmul.f32 v9, v3;
	_ =	sdelay $0x1  }
0x80: {  	v0 =	vmul.f32 v5, v0;
	v1 =	vadd.f32 v2, v1;
	_ =	sdelay $0x1  }
0x81: {  	v0 =	vadd.f32 v0, v1;
	_ =	sdelay $0x1  }
0x82: {  	s29 =	sadd.s32 @!p0 $0x280, s26;
	s30 =	simm.s32 @!p0 $0x64;
	s31 =	simm.s32 @!p0 $0xB480;
	[tilespmem:s28+$0x19080] =	vst v0  }
0x83: {  	[tilespmem:s31], [sflag:$0x2] =	stream.indirect.gather @!p0 [hbm4b:s1+s30], $0x80, s29, s30, $0xb8;
	[tilespmem:$0x1D080] =	vst v63  }
0x84: {  	_ =	swait.ge [sflag:s21], $0x3200  }
0x85: {  	[sflag:s21] =	ssyncset.done $0x0  }
0x86: {  	s30 =	simm.s32 $0xE880;
	[sflag:s21] =	ssyncadd.s32 $0xFFFFCE00  }
0x87: {  	v1 =	vld [tilespmem:s30+$0x80]  }
0x88: {  	v2 =	vld [tilespmem:s30+$0x90]  }
0x89: {  	v4 =	vld [tilespmem:s30+$0xA0]  }
0x8a: {  	v5 =	vld [tilespmem:s30+$0xB0]  }
0x8b: {  	v0 =	vld [tilespmem:s30+$0xC0]  }
0x8c: {  	v6 =	vld [tilespmem:s30+$0x0]  }
0x8d: {  	v7 =	vld [tilespmem:s30+$0x10]  }
0x8e: {  	v8 =	vld [tilespmem:s30+$0x20]  }
0x8f: {  	v9 =	vld [tilespmem:s30+$0x30]  }
0x90: {  	v3 =	vld [tilespmem:s30+$0xD0]  }
0x91: {  	v14 =	vld [tilespmem:s30+$0x40]  }
0x92: {  	v17 =	vld [tilespmem:s30+$0x50]  }
0x93: {  	v10 =	vimm.f32 $0.0e+00;
	v15 =	vld [tilespmem:s30+$0x60]  }
0x94: {  	v13 =	vimm.f32 $0.0e+00;
	v18 =	vld [tilespmem:s30+$0x70];
	v6 =	vadd.f32 v6, v10;
	v11 =	vadd.f32 v7, v10  }
0x95: {  	v12 =	vimm.f32 $0.0e+00;
	v16 =	vld [tilespmem:s30+$0xE0];
	v20 =	vadd.f32 v8, v10;
	v21 =	vadd.f32 v9, v10  }
0x96: {  	s29 =	simm.s32 $0x0;
	v19 =	vld [tilespmem:s30+$0xF0];
	s30 =	simm.s32 $0xE980;
	v7 =	vadd.f32 v1, v6;
	v8 =	vadd.f32 v2, v11;
	v11 =	vimm.f32 $0.0e+00  }
.LBB2_7:
0x97: {  	v1 =	vld [tilespmem:s30+$0x80];
	v2 =	vadd.f32 v4, v20;
	v6 =	vadd.f32 v5, v21  }
0x98: {  	v10 =	vadd.f32 v14, v10;
	v13 =	vadd.f32 v17, v13;
	v9 =	vld [tilespmem:s30+$0x90]  }
0x99: {  	v11 =	vadd.f32 v15, v11;
	v4 =	vld [tilespmem:s30+$0xA0];
	v12 =	vadd.f32 v18, v12  }
0x9a: {  	v10 =	vadd.f32 v0, v10;
	v13 =	vadd.f32 v3, v13;
	v5 =	vld [tilespmem:s30+$0xB0]  }
0x9b: {  	v11 =	vadd.f32 v16, v11;
	v0 =	vld [tilespmem:s30+$0xC0];
	v12 =	vadd.f32 v19, v12  }
0x9c: {  	v3 =	vld [tilespmem:s30+$0xD0]  }
0x9d: {  	v16 =	vld [tilespmem:s30+$0x0]  }
0x9e: {  	v18 =	vld [tilespmem:s30+$0x10]  }
0x9f: {  	v19 =	vld [tilespmem:s30+$0x20]  }
0xa0: {  	s29 =	sadd.s32 $0x2, s29;
	v21 =	vld [tilespmem:s30+$0x30]  }
0xa1: {  	p1 =	slt.u32 s29, $0x62;
	v14 =	vld [tilespmem:s30+$0x40]  }
.Ltmp2:
0xa2: {  	v17 =	vld [tilespmem:s30+$0x50];
	(pc) =	sbr.rel @p1 .LBB2_7-.Ltmp2, $4  }
0xa3: {  	v15 =	vld [tilespmem:s30+$0x60]  }
0xa4: {  	v7 =	vadd.f32 v16, v7;
	v8 =	vadd.f32 v18, v8;
	v18 =	vld [tilespmem:s30+$0x70]  }
0xa5: {  	v20 =	vadd.f32 v19, v2;
	v21 =	vadd.f32 v21, v6;
	v16 =	vld [tilespmem:s30+$0xE0]  }
0xa6: {  	v7 =	vadd.f32 v1, v7;
	v8 =	vadd.f32 v9, v8;
	v19 =	vld [tilespmem:s30+$0xF0];
	s30 =	sadd.s32 $0x100, s30  }
0xa7: {  	s26 =	sadd.s32 @!p0 $0x300, s26;
	s29 =	simm.s32 @!p0 $0x64;
	s30 =	simm.s32 @!p0 $0xE880  }
0xa8: {  	[tilespmem:s30], [sflag:$0x3] =	stream.indirect.gather @!p0 [hbm4b:s1+s29], $0x80, s26, s29, $0xb8;
	[tilespmem:$0x1D080] =	vst v63  }
0xa9: {  	_ =	swait.ge [sflag:s22], $0x3200  }
0xaa: {  	[sflag:s22] =	ssyncset.done $0x0  }
0xab: {  	s29 =	simm.s32 $0x11C80;
	[sflag:s22] =	ssyncadd.s32 $0xFFFFCE00  }
0xac: {  	v22 =	vld [tilespmem:s29+$0x80]  }
0xad: {  	v23 =	vld [tilespmem:s29+$0x90]  }
0xae: {  	v6 =	vld [tilespmem:s29+$0xA0]  }
0xaf: {  	v9 =	vld [tilespmem:s29+$0xB0]  }
0xb0: {  	v2 =	vld [tilespmem:s29+$0xC0]  }
0xb1: {  	v1 =	vld [tilespmem:s29+$0xD0]  }
0xb2: {  	v24 =	vld [tilespmem:s29+$0x0]  }
0xb3: {  	v25 =	vld [tilespmem:s29+$0x10]  }
0xb4: {  	v20 =	vadd.f32 v4, v20;
	v21 =	vadd.f32 v5, v21;
	v26 =	vld [tilespmem:s29+$0x20]  }
0xb5: {  	v4 =	vadd.f32 v14, v10;
	v10 =	vadd.f32 v17, v13;
	v13 =	vld [tilespmem:s29+$0x30]  }
0xb6: {  	v14 =	vadd.f32 v15, v11;
	v15 =	vadd.f32 v18, v12;
	v11 =	vld [tilespmem:s29+$0x40]  }
0xb7: {  	v5 =	vadd.f32 v0, v4;
	v4 =	vadd.f32 v3, v10;
	v12 =	vld [tilespmem:s29+$0x50]  }
0xb8: {  	v3 =	vadd.f32 v16, v14;
	v0 =	vadd.f32 v19, v15;
	v10 =	vld [tilespmem:s29+$0x60]  }
0xb9: {  	v14 =	vadd.f32 v24, v7;
	v18 =	vadd.f32 v25, v8;
	v8 =	vld [tilespmem:s29+$0x70]  }
0xba: {  	v17 =	vadd.f32 v26, v20;
	v16 =	vadd.f32 v13, v21;
	v7 =	vld [tilespmem:s29+$0xE0]  }
0xbb: {  	s26 =	simm.s32 $0x0;
	v13 =	vld [tilespmem:s29+$0xF0];
	s29 =	simm.s32 $0x11D80;
	v15 =	vadd.f32 v22, v14;
	v14 =	vadd.f32 v23, v18  }
.LBB2_9:
0xbc: {  	v18 =	vld [tilespmem:s29+$0x80];
	v17 =	vadd.f32 v6, v17;
	v16 =	vadd.f32 v9, v16  }
0xbd: {  	v5 =	vadd.f32 v11, v5;
	v4 =	vadd.f32 v12, v4;
	v19 =	vld [tilespmem:s29+$0x90]  }
0xbe: {  	v3 =	vadd.f32 v10, v3;
	v6 =	vld [tilespmem:s29+$0xA0];
	v0 =	vadd.f32 v8, v0  }
0xbf: {  	v5 =	vadd.f32 v2, v5;
	v4 =	vadd.f32 v1, v4;
	v9 =	vld [tilespmem:s29+$0xB0]  }
0xc0: {  	v3 =	vadd.f32 v7, v3;
	v2 =	vld [tilespmem:s29+$0xC0];
	v0 =	vadd.f32 v13, v0  }
0xc1: {  	v1 =	vld [tilespmem:s29+$0xD0]  }
0xc2: {  	v7 =	vld [tilespmem:s29+$0x0]  }
0xc3: {  	v8 =	vld [tilespmem:s29+$0x10]  }
0xc4: {  	v13 =	vld [tilespmem:s29+$0x20]  }
0xc5: {  	s26 =	sadd.s32 $0x2, s26;
	v20 =	vld [tilespmem:s29+$0x30]  }
0xc6: {  	p0 =	slt.u32 s26, $0x62;
	v11 =	vld [tilespmem:s29+$0x40]  }
.Ltmp3:
0xc7: {  	v12 =	vld [tilespmem:s29+$0x50];
	(pc) =	sbr.rel @p0 .LBB2_9-.Ltmp3, $4  }
0xc8: {  	v10 =	vld [tilespmem:s29+$0x60]  }
0xc9: {  	v15 =	vadd.f32 v7, v15;
	v14 =	vadd.f32 v8, v14;
	v8 =	vld [tilespmem:s29+$0x70]  }
0xca: {  	v17 =	vadd.f32 v13, v17;
	v16 =	vadd.f32 v20, v16;
	v7 =	vld [tilespmem:s29+$0xE0]  }
0xcb: {  	v15 =	vadd.f32 v18, v15;
	v14 =	vadd.f32 v19, v14;
	v13 =	vld [tilespmem:s29+$0xF0];
	s29 =	sadd.s32 $0x100, s29  }
0xcc: {  	v18 =	vld [tilespmem:s28+$0x15100];
	_ =	sdelay $0x1  }
0xcd: {  	v19 =	vld [tilespmem:s28+$0x15110];
	_ =	sdelay $0x1  }
0xce: {  	v20 =	vld [tilespmem:s28+$0x15120]  }
0xcf: {  	v15 =	vmul.f32 v18, v15  }
0xd0: {  	v54 =	vld [tilespmem:s28+$0x15130]  }
0xd1: {  	v6 =	vadd.f32 v6, v17;
	v14 =	vmul.f32 v19, v14;
	v15 =	vadd.f32 $0.0e+00, v15  }
0xd2: {  	v9 =	vadd.f32 v9, v16;
	v55 =	vld [tilespmem:s28+$0x15140]  }
0xd3: {  	v5 =	vadd.f32 v11, v5;
	v6 =	vmul.f32 v20, v6;
	v56 =	vadd.f32 v14, v15  }
0xd4: {  	v4 =	vadd.f32 v12, v4;
	v57 =	vld [tilespmem:s28+$0x15150]  }
0xd5: {  	v2 =	vadd.f32 v2, v5;
	v59 =	vmul.f32 v54, v9;
	v58 =	vadd.f32 v6, v56  }
0xd6: {  	v60 =	vld [tilespmem:s28+$0x15160];
	v3 =	vadd.f32 v10, v3  }
0xd7: {  	v1 =	vadd.f32 v1, v4;
	v2 =	vmul.f32 v55, v2;
	v61 =	vadd.f32 v59, v58  }
0xd8: {  	v62 =	vld [tilespmem:s28+$0x15170];
	v0 =	vadd.f32 v8, v0  }
0xd9: {  	v3 =	vadd.f32 v7, v3;
	v1 =	vmul.f32 v57, v1;
	v2 =	vadd.f32 v2, v61;
	_ =	sdelay $0x1  }
0xda: {  	s25 =	sadd.s32 $0x1, s25;
	v0 =	vadd.f32 v13, v0;
	v63 =	vmul.f32 v60, v3;
	v1 =	vadd.f32 v1, v2  }
0xdb: {  	p0 =	sne.s32 s25, $0x40  }
.Ltmp4:
0xdc: {  	v0 =	vmul.f32 v62, v0;
	v1 =	vadd.f32 v63, v1;
	(pc) =	sbr.rel @p0 .LBB2_2-.Ltmp4, $3  }
0xdd: {  	_ = 	snop  }
0xde: {  	v0 =	vadd.f32 v0, v1;
	_ =	sdelay $0x1  }
0xdf: {  	[tilespmem:s28+$0x19100] =	vst v0  }
0xe0: {  	s24 =	sadd.s32 $0x1, s24  }
0xe1: {  	p0 =	sne.s32 s24, s7  }
.Ltmp5:
0xe2: {  	_ = 	snop;
	(pc) =	sbr.rel @p0 .LBB2_1-.Ltmp5, $4  }
0xe3: {  	[hbm4b:s6+s3] =	stream.linear.scatter [tilespmem:s23], [sflag:$0x6], $0x4000, $0x38;
	[tilespmem:$0x1D080] =	vst v63  }
0xe4: {  	_ =	swait.ge [sflag:s8], $0x4000  }
0xe5: {  	[sflag:s8] =	ssyncset.done $0x0  }
0xe6: {  	[sflag:s8] =	ssyncadd.s32 $0xFFFFC000  }
0xe7: {  	_ =	sfence.sel $0x180000  }
0xe8: {  	[bflag:$0x0] =	sbarrier.arrive $0xFFFF  }
0xe9: {  	p0 =	sne.s32 s2, $0x0;
	_ =	strace $0x90000047  }
0xea: {  	s0 =	sadd.s32 @!p0 $0x100000, s0;
	[bflag:$0x2] =	sbarrier.arrive $0xFFFF  }
0xeb: {  	[sflag:s0] =	ssyncadd.tile.s32 @!p0 $0x1;
	_ =	shalt  }
.Lfunc_end2:
_tile_overlayer_lowered:
.L_overlay_start_2:
0xec: {  	(tag) =	ssettag $0x2  }
0xed: {  	s0 =	rddreg [dreg:$0x0];
	s2 =	stileid.u32  }
0xee: {  	s1 =	rddreg [dreg:$0x1];
	p0 =	sne.s32 s2, $0x0  }
0xef: {  	s3 =	rddreg [dreg:$0x2];
	[bflag:$0x3] =	sbarrier.arrive $0xFFFF;
	s2 =	simm.s32 @!p0 $0x1C06  }
0xf0: {  	[timem:s3], [sflag:s2] =	dma.local @!p0 [hbm:s0], s1  }
0xf1: {  	s0 =	simm.s32 @!p0 $0x6  }
0xf2: {  	_ =	swait.ge @!p0 [sflag:s0], s1  }
0xf3: {  	s1 =	ssub.s32 @!p0 $0x0, s1;
	[sflag:s0] =	ssyncset.done @!p0 $0x0  }
0xf4: {  	[sflag:s0] =	ssyncadd.s32 @!p0 s1  }
0xf5: {  	[bflag:$0x3] =	sbarrier.arrive $0xFFFF  }
0xf6: {  	_ =	shalt  }

</sc_bundles>
